<compile_context>
chip_gen: v7x
topology: tpu7x:2x2x1
jax: 0.10.2.dev20260603
libtpu: 0.0.44.dev20260713+nightly
codegen_flags: <defaults>
</compile_context>

<pallas_src>
import functools

import jax
import jax.numpy as jnp
from jax import lax
from jax.experimental import pallas as pl
from jax.experimental.pallas import tpu as pltpu
from jax.experimental.pallas import tpu_sc as plsc

N = 10000
D = 128
NC = 2
NS = 16
NW = NC * NS
CHUNK = 128
NCH = 80
EPT = NCH * CHUNK
E_PAD = NW * EPT
ACC_N = 10240
RPT = ACC_N // NS

_mesh = plsc.VectorSubcoreMesh(core_axis_name="c", subcore_axis_name="s")


KB = 4
DEGW = 128


@functools.partial(
    pl.kernel,
    out_type=jax.ShapeDtypeStruct((NC, ACC_N, DEGW), jnp.float32),
    mesh=_mesh,
    scratch_types=[
        pltpu.VMEM((NCH, CHUNK), jnp.int32),
        pltpu.VMEM((CHUNK, DEGW), jnp.float32),
        pltpu.VMEM_SHARED((ACC_N, DEGW), jnp.float32),
        [pltpu.SemaphoreType.DMA] * KB,
    ],
)
def _sc_degree(dst_hbm, ones_hbm, zeros_hbm, out_hbm, dst_v, ones_v, acc_sh,
               dsems):
    c = lax.axis_index("c")
    s = lax.axis_index("s")
    w = c * NS + s
    pltpu.sync_copy(zeros_hbm, acc_sh.at[pl.ds(s * RPT, 320)])
    pltpu.sync_copy(zeros_hbm, acc_sh.at[pl.ds(s * RPT + 320, 320)])
    pltpu.sync_copy(ones_hbm, ones_v)
    pltpu.sync_copy(dst_hbm.at[pl.ds(w * NCH, NCH)], dst_v)
    plsc.subcore_barrier()

    for b in range(KB):
        pltpu.async_copy(ones_v, acc_sh.at[dst_v.at[b]], dsems[b], add=True)

    def group(gi, carry):
        for b in range(KB):
            j = (gi + 1) * KB + b
            pltpu.make_async_copy(ones_v, acc_sh.at[dst_v.at[j - KB]],
                                  dsems[b]).wait()
            pltpu.async_copy(ones_v, acc_sh.at[dst_v.at[j]], dsems[b],
                             add=True)
        return carry

    lax.fori_loop(0, NCH // KB - 1, group, 0)
    for b in range(KB):
        pltpu.make_async_copy(ones_v, acc_sh.at[dst_v.at[NCH - KB + b]],
                              dsems[b]).wait()
    plsc.subcore_barrier()
    pltpu.sync_copy(acc_sh.at[pl.ds(s * RPT, RPT)],
                    out_hbm.at[c, pl.ds(s * RPT, RPT)])



NBUF = 2
SSZ = 40
SGRP = SSZ // NBUF
NSTG = NCH // SSZ


@functools.partial(
    pl.kernel,
    out_type=jax.ShapeDtypeStruct((NC, ACC_N, D), jnp.float32),
    mesh=_mesh,
    scratch_types=[
        pltpu.VMEM((SSZ, CHUNK), jnp.int32),
        pltpu.VMEM((SSZ, CHUNK), jnp.int32),
        [pltpu.VMEM((CHUNK, D), jnp.float32)] * NBUF,
        pltpu.VMEM_SHARED((ACC_N, D), jnp.float32),
        [pltpu.SemaphoreType.DMA] * NBUF,
    ],
)
def _sc_aggregate(g_hbm, src_hbm, dst_hbm, zeros_hbm, out_hbm,
                  src_v, dst_v, rows_v, acc_sh, gsems):
    c = lax.axis_index("c")
    s = lax.axis_index("s")
    base_row = (c * NS + s) * NCH
    pltpu.sync_copy(zeros_hbm, acc_sh.at[pl.ds(s * RPT, 320)])
    pltpu.sync_copy(zeros_hbm, acc_sh.at[pl.ds(s * RPT + 320, 320)])
    plsc.subcore_barrier()

    def stage(qi, carry):
        row0 = base_row + qi * SSZ
        pltpu.sync_copy(src_hbm.at[pl.ds(row0, SSZ)], src_v)
        pltpu.sync_copy(dst_hbm.at[pl.ds(row0, SSZ)], dst_v)

        for b in range(NBUF):
            pltpu.async_copy(g_hbm.at[src_v.at[b]], rows_v[b], gsems[b])

        def step(j, b):
            pltpu.make_async_copy(g_hbm.at[src_v.at[j]], rows_v[b],
                                  gsems[b]).wait()
            pltpu.sync_copy(rows_v[b], acc_sh.at[dst_v.at[j]], add=True)

        def group(gi, carry2):
            for b in range(NBUF):
                j = gi * NBUF + b
                step(j, b)
                pltpu.async_copy(g_hbm.at[src_v.at[j + NBUF]], rows_v[b],
                                 gsems[b])
            return carry2

        lax.fori_loop(0, SGRP - 1, group, 0)
        for b in range(NBUF):
            step(SSZ - NBUF + b, b)
        return carry

    lax.fori_loop(0, NSTG, stage, 0)

    plsc.subcore_barrier()
    pltpu.sync_copy(acc_sh.at[pl.ds(s * RPT, RPT)],
                    out_hbm.at[c, pl.ds(s * RPT, RPT)])



_R = 2000


def _lin_body(x_ref, w_ref, degp_ref, h_ref, g_ref, dinv_ref):
    deg = jnp.sum(degp_ref[...], axis=(0, 2)) * (1.0 / DEGW) + 1.0
    dv = lax.rsqrt(deg)[:, None]
    dinv_ref[...] = dv
    h = jnp.dot(x_ref[...], w_ref[...], preferred_element_type=jnp.float32)
    h_ref[...] = h
    g_ref[...] = h * dv


def _tc_layer_in(x, w, deg_p):
    return pl.pallas_call(
        _lin_body,
        grid=(N // _R,),
        in_specs=[
            pl.BlockSpec((_R, D), lambda i: (i, 0)),
            pl.BlockSpec((D, D), lambda i: (0, 0)),
            pl.BlockSpec((NC, _R, DEGW), lambda i: (0, i, 0)),
        ],
        out_specs=[
            pl.BlockSpec((_R, D), lambda i: (i, 0)),
            pl.BlockSpec((_R, D), lambda i: (i, 0)),
            pl.BlockSpec((_R, 1), lambda i: (i, 0)),
        ],
        out_shape=[
            jax.ShapeDtypeStruct((N, D), jnp.float32),
            jax.ShapeDtypeStruct((N, D), jnp.float32),
            jax.ShapeDtypeStruct((N, 1), jnp.float32),
        ],
    )(x, w, deg_p)


def _mid_body(p_ref, h1_ref, dinv_ref, w_ref, h2_ref, g2_ref):
    dv = dinv_ref[...]
    agg = p_ref[0] + p_ref[1]
    z = jnp.maximum(dv * agg + dv * dv * h1_ref[...], 0.0)
    h2 = jnp.dot(z, w_ref[...], preferred_element_type=jnp.float32)
    h2_ref[...] = h2
    g2_ref[...] = dv * h2


def _tc_mid(p, h1, dinv_col, w2):
    return pl.pallas_call(
        _mid_body,
        grid=(N // _R,),
        in_specs=[
            pl.BlockSpec((NC, _R, D), lambda i: (0, i, 0)),
            pl.BlockSpec((_R, D), lambda i: (i, 0)),
            pl.BlockSpec((_R, 1), lambda i: (i, 0)),
            pl.BlockSpec((D, D), lambda i: (0, 0)),
        ],
        out_specs=[
            pl.BlockSpec((_R, D), lambda i: (i, 0)),
            pl.BlockSpec((_R, D), lambda i: (i, 0)),
        ],
        out_shape=[
            jax.ShapeDtypeStruct((N, D), jnp.float32),
            jax.ShapeDtypeStruct((N, D), jnp.float32),
        ],
    )(p, h1, dinv_col, w2)


def _out_body(p_ref, h2_ref, dinv_ref, b_ref, o_ref):
    dv = dinv_ref[...]
    o_ref[...] = dv * (p_ref[0] + p_ref[1]) + dv * dv * h2_ref[...] + b_ref[...]


def _tc_out(p, h2, dinv_col, b):
    return pl.pallas_call(
        _out_body,
        grid=(N // _R,),
        in_specs=[
            pl.BlockSpec((NC, _R, D), lambda i: (0, i, 0)),
            pl.BlockSpec((_R, D), lambda i: (i, 0)),
            pl.BlockSpec((_R, 1), lambda i: (i, 0)),
            pl.BlockSpec((1, D), lambda i: (0, 0)),
        ],
        out_specs=pl.BlockSpec((_R, D), lambda i: (i, 0)),
        out_shape=jax.ShapeDtypeStruct((N, D), jnp.float32),
    )(p, h2, dinv_col, b)



def kernel(x, edge_index, W1, W2, b2):
    E = edge_index.shape[1]
    pad = E_PAD - E
    src = jnp.concatenate(
        [edge_index[0].astype(jnp.int32),
         jnp.arange(pad, dtype=jnp.int32) % N])
    dst = jnp.concatenate(
        [edge_index[1].astype(jnp.int32),
         N + (jnp.arange(pad, dtype=jnp.int32) % (ACC_N - N))])
    src2d = src.reshape(NW * NCH, CHUNK)
    dst2d = dst.reshape(NW * NCH, CHUNK)
    zeros = jnp.zeros((320, D), jnp.float32)
    ones_deg = jnp.ones((CHUNK, DEGW), jnp.float32)

    deg_p = _sc_degree(dst2d, ones_deg, zeros)
    h1, g1, dinv_col = _tc_layer_in(x, W1, deg_p)
    p1 = _sc_aggregate(g1, src2d, dst2d, zeros)
    h2, g2 = _tc_mid(p1, h1, dinv_col, W2)
    p2 = _sc_aggregate(g2, src2d, dst2d, zeros)
    out = _tc_out(p2, h2, dinv_col, b2.reshape(1, D))
    return out

# --- scband reference (transcript-rebuilt; emitter-appended) ---
"""Pipeline reference for scband-kapoor-conv-79474074845505 (READ-ONLY COPY).

The authoritative reference and input builder live on the scoring server;
editing this copy changes nothing except your own understanding.
"""

import jax, jax.numpy as jnp
import numpy as np

N_NODES = 10000


def setup_inputs(seed: int = 0) -> dict:
    key = jax.random.key(seed)
    k_x, k_ei, k_w1, k_w2, k_b2 = jax.random.split(key, 5)
    x = jax.random.normal(k_x, (N_NODES, 128), dtype=jnp.float32)
    edge_index = jax.random.randint(k_ei, (2, 320000), 0, N_NODES, dtype=jnp.int64)
    # GCNConv layer params (glorot-ish init)
    s1 = (6.0 / (128 + 128)) ** 0.5
    W1 = jax.random.uniform(k_w1, (128, 128), dtype=jnp.float32, minval=-s1, maxval=s1)
    W2 = jax.random.uniform(k_w2, (128, 128), dtype=jnp.float32, minval=-s1, maxval=s1)
    b2 = jnp.zeros((128,), dtype=jnp.float32)
    return {"x": x, "edge_index": edge_index, "W1": W1, "W2": W2, "b2": b2}


def _gcn_conv(x, edge_index, W, b):
    # x' = D^{-1/2} (A + I) D^{-1/2} (x W) + b  (PyG GCNConv with add_self_loops + sym norm)
    n = x.shape[0]
    h = x @ W
    loop = jnp.arange(n, dtype=edge_index.dtype)
    src = jnp.concatenate([edge_index[0], loop])
    dst = jnp.concatenate([edge_index[1], loop])
    deg = jnp.zeros((n,), dtype=h.dtype).at[dst].add(1.0)
    dinv = jnp.where(deg > 0, jax.lax.rsqrt(deg), 0.0)
    norm = dinv[src] * dinv[dst]
    msg = h[src] * norm[:, None]
    out = jnp.zeros_like(h).at[dst].add(msg)
    if b is not None:
        out = out + b
    return out


def reference(x, edge_index, W1, W2, b2):
    # Dropout is identity in eval mode (deterministic reference).
    h = _gcn_conv(x, edge_index, W1, None)
    h = jax.nn.relu(h)
    out = _gcn_conv(h, edge_index, W2, b2)
    return out

if __name__ == "__main__":
    import jax
    _d = setup_inputs()
    print(jax.jit(kernel)(*tuple(_d.values())))

</pallas_src>

<mosaic_0001>
#map = affine_map<(d0, d1) -> (0, 0)>
#map1 = affine_map<(d0, d1) -> (0, 0, 0)>
module attributes {stable_mosaic.version = 14 : i64} {
  func.func @_sc_aggregate(%arg0: i32, %arg1: i32, %arg2: memref<10000x128xf32, #tpu.memory_space<hbm>>, %arg3: memref<2560x128xi32, #tpu.memory_space<hbm>>, %arg4: memref<2560x128xi32, #tpu.memory_space<hbm>>, %arg5: memref<320x128xf32, #tpu.memory_space<hbm>>, %arg6: memref<2x10240x128xf32, #tpu.memory_space<hbm>>, %arg7: memref<40x128xi32, #tpu.memory_space<vmem>>, %arg8: memref<40x128xi32, #tpu.memory_space<vmem>>, %arg9: memref<128x128xf32, #tpu.memory_space<vmem>>, %arg10: memref<128x128xf32, #tpu.memory_space<vmem>>, %arg11: memref<10240x128xf32, #tpu.memory_space<vmem_shared>>, %arg12: memref<!tpu.dma_semaphore, #tpu.memory_space<semaphore_mem>>, %arg13: memref<!tpu.dma_semaphore, #tpu.memory_space<semaphore_mem>>) attributes {dimension_semantics = [#tpu.dimension_semantics<core_parallel>, #tpu.dimension_semantics<subcore_parallel>], iteration_bounds = array<i64: 2, 16>, scalar_prefetch = 0 : i64, scratch_operands = 7 : i64, tpu.core_type = #tpu.core_type<sc_vector_subcore>, window_params = [{transform_indices = #map}, {transform_indices = #map}, {transform_indices = #map}, {transform_indices = #map}, {transform_indices = #map1}]} {
    %mul3A = arith.constant 16 : i32
    %mul3A_0 = arith.muli %arg0, %mul3A : i32
    %add3A = arith.addi %mul3A_0, %arg1 : i32
    %mul3A_1 = arith.constant 80 : i32
    %mul3A_2 = arith.muli %add3A, %mul3A_1 : i32
    %mul3A_3 = arith.constant 640 : i32
    %mul3A_4 = arith.muli %arg1, %mul3A_3 : i32
    "tpu.region"() ({
      %run_scoped3A = tpu.sem_alloc : memref<!tpu.dma_semaphore, #tpu.memory_space<semaphore_mem>>
      %dma_start3A = arith.constant 0 : i32
      %dma_start3A_19 = tpu.memref_slice %arg11[%mul3A_4, %dma_start3A] : memref<10240x128xf32, #tpu.memory_space<vmem_shared>> -> memref<320x128xf32, #tpu.memory_space<vmem_shared>>
      tpu.enqueue_dma source(%arg5 : memref<320x128xf32, #tpu.memory_space<hbm>>) target(%dma_start3A_19 : memref<320x128xf32, #tpu.memory_space<vmem_shared>>) target_semaphore(%run_scoped3A : memref<!tpu.dma_semaphore, #tpu.memory_space<semaphore_mem>>)
      %dma_wait3A = arith.constant 0 : i32
      %dma_wait3A_20 = tpu.memref_slice %arg11[%mul3A_4, %dma_wait3A] : memref<10240x128xf32, #tpu.memory_space<vmem_shared>> -> memref<320x128xf32, #tpu.memory_space<vmem_shared>>
      tpu.wait_dma2 semaphore(%run_scoped3A : memref<!tpu.dma_semaphore, #tpu.memory_space<semaphore_mem>>) src(%arg5 : memref<320x128xf32, #tpu.memory_space<hbm>>) dst(%dma_wait3A_20 : memref<320x128xf32, #tpu.memory_space<vmem_shared>>)
      tpu.yield
    }) : () -> ()
    %mul3A_5 = arith.constant 640 : i32
    %mul3A_6 = arith.muli %arg1, %mul3A_5 : i32
    %add3A_7 = arith.constant 320 : i32
    %add3A_8 = arith.addi %mul3A_6, %add3A_7 : i32
    "tpu.region"() ({
      %run_scoped3A = tpu.sem_alloc : memref<!tpu.dma_semaphore, #tpu.memory_space<semaphore_mem>>
      %dma_start3A = arith.constant 0 : i32
      %dma_start3A_19 = tpu.memref_slice %arg11[%add3A_8, %dma_start3A] : memref<10240x128xf32, #tpu.memory_space<vmem_shared>> -> memref<320x128xf32, #tpu.memory_space<vmem_shared>>
      tpu.enqueue_dma source(%arg5 : memref<320x128xf32, #tpu.memory_space<hbm>>) target(%dma_start3A_19 : memref<320x128xf32, #tpu.memory_space<vmem_shared>>) target_semaphore(%run_scoped3A : memref<!tpu.dma_semaphore, #tpu.memory_space<semaphore_mem>>)
      %dma_wait3A = arith.constant 0 : i32
      %dma_wait3A_20 = tpu.memref_slice %arg11[%add3A_8, %dma_wait3A] : memref<10240x128xf32, #tpu.memory_space<vmem_shared>> -> memref<320x128xf32, #tpu.memory_space<vmem_shared>>
      tpu.wait_dma2 semaphore(%run_scoped3A : memref<!tpu.dma_semaphore, #tpu.memory_space<semaphore_mem>>) src(%arg5 : memref<320x128xf32, #tpu.memory_space<hbm>>) dst(%dma_wait3A_20 : memref<320x128xf32, #tpu.memory_space<vmem_shared>>)
      tpu.yield
    }) : () -> ()
    %barrier3A = arith.constant 0 : index
    tpu.barrier barrier_id(%barrier3A)
    %scan3A = arith.constant 0 : i32
    %scan3A_9 = arith.constant 0 : i32
    %scan3A_10 = arith.constant 2 : i32
    %scan3A_11 = arith.addi %scan3A_9, %scan3A_10 : i32
    %scan3A_12 = arith.constant 1 : i32
    scf.for %scan3A_19 = %scan3A_9 to %scan3A_11 step %scan3A_12  : i32 {
      %mul3A_20 = arith.constant 40 : i32
      %mul3A_21 = arith.muli %scan3A_19, %mul3A_20 : i32
      %add3A_22 = arith.addi %mul3A_2, %mul3A_21 : i32
      "tpu.region"() ({
        %run_scoped3A_56 = tpu.sem_alloc : memref<!tpu.dma_semaphore, #tpu.memory_space<semaphore_mem>>
        %dma_start3A_57 = arith.constant 0 : i32
        %dma_start3A_58 = tpu.memref_slice %arg3[%add3A_22, %dma_start3A_57] : memref<2560x128xi32, #tpu.memory_space<hbm>> -> memref<40x128xi32, #tpu.memory_space<hbm>>
        %dma_start3A_59 = arith.constant 0 : i32
        %dma_start3A_60 = tpu.memref_slice %arg3[%add3A_22, %dma_start3A_59] : memref<2560x128xi32, #tpu.memory_space<hbm>> -> memref<40x128xi32, #tpu.memory_space<hbm>>
        tpu.enqueue_dma source(%dma_start3A_60 : memref<40x128xi32, #tpu.memory_space<hbm>>) target(%arg7 : memref<40x128xi32, #tpu.memory_space<vmem>>) target_semaphore(%run_scoped3A_56 : memref<!tpu.dma_semaphore, #tpu.memory_space<semaphore_mem>>)
        %dma_wait3A_61 = arith.constant 0 : i32
        %dma_wait3A_62 = tpu.memref_slice %arg3[%add3A_22, %dma_wait3A_61] : memref<2560x128xi32, #tpu.memory_space<hbm>> -> memref<40x128xi32, #tpu.memory_space<hbm>>
        %dma_wait3A_63 = arith.constant 0 : i32
        %dma_wait3A_64 = tpu.memref_slice %arg3[%add3A_22, %dma_wait3A_63] : memref<2560x128xi32, #tpu.memory_space<hbm>> -> memref<40x128xi32, #tpu.memory_space<hbm>>
        tpu.wait_dma2 semaphore(%run_scoped3A_56 : memref<!tpu.dma_semaphore, #tpu.memory_space<semaphore_mem>>) src(%dma_wait3A_64 : memref<40x128xi32, #tpu.memory_space<hbm>>) dst(%arg7 : memref<40x128xi32, #tpu.memory_space<vmem>>)
        tpu.yield
      }) : () -> ()
      "tpu.region"() ({
        %run_scoped3A_56 = tpu.sem_alloc : memref<!tpu.dma_semaphore, #tpu.memory_space<semaphore_mem>>
        %dma_start3A_57 = arith.constant 0 : i32
        %dma_start3A_58 = tpu.memref_slice %arg4[%add3A_22, %dma_start3A_57] : memref<2560x128xi32, #tpu.memory_space<hbm>> -> memref<40x128xi32, #tpu.memory_space<hbm>>
        %dma_start3A_59 = arith.constant 0 : i32
        %dma_start3A_60 = tpu.memref_slice %arg4[%add3A_22, %dma_start3A_59] : memref<2560x128xi32, #tpu.memory_space<hbm>> -> memref<40x128xi32, #tpu.memory_space<hbm>>
        tpu.enqueue_dma source(%dma_start3A_60 : memref<40x128xi32, #tpu.memory_space<hbm>>) target(%arg8 : memref<40x128xi32, #tpu.memory_space<vmem>>) target_semaphore(%run_scoped3A_56 : memref<!tpu.dma_semaphore, #tpu.memory_space<semaphore_mem>>)
        %dma_wait3A_61 = arith.constant 0 : i32
        %dma_wait3A_62 = tpu.memref_slice %arg4[%add3A_22, %dma_wait3A_61] : memref<2560x128xi32, #tpu.memory_space<hbm>> -> memref<40x128xi32, #tpu.memory_space<hbm>>
        %dma_wait3A_63 = arith.constant 0 : i32
        %dma_wait3A_64 = tpu.memref_slice %arg4[%add3A_22, %dma_wait3A_63] : memref<2560x128xi32, #tpu.memory_space<hbm>> -> memref<40x128xi32, #tpu.memory_space<hbm>>
        tpu.wait_dma2 semaphore(%run_scoped3A_56 : memref<!tpu.dma_semaphore, #tpu.memory_space<semaphore_mem>>) src(%dma_wait3A_64 : memref<40x128xi32, #tpu.memory_space<hbm>>) dst(%arg8 : memref<40x128xi32, #tpu.memory_space<vmem>>)
        tpu.yield
      }) : () -> ()
      %dma_start3A = arith.constant 0 : i32
      %dma_start3A_23 = arith.constant 0 : i32
      %dma_start3A_24 = tpu.memref_slice %arg7[%dma_start3A, %dma_start3A_23] : memref<40x128xi32, #tpu.memory_space<vmem>> -> memref<1x128xi32, #tpu.memory_space<vmem>>
      %dma_start3A_25 = tpu.memref_squeeze %dma_start3A_24 : memref<1x128xi32, #tpu.memory_space<vmem>> -> memref<128xi32, #tpu.memory_space<vmem>>
      %dma_start3A_26 = arith.constant 0 : i32
      %dma_start3A_27 = arith.constant 0 : i32
      %dma_start3A_28 = tpu.memref_slice %arg2[%dma_start3A_26, %dma_start3A_27] : memref<10000x128xf32, #tpu.memory_space<hbm>> -> memref<10000x128xf32, #tpu.memory_space<hbm>>
      tpu.enqueue_indirect_dma source(%dma_start3A_28 : memref<10000x128xf32, #tpu.memory_space<hbm>>) target(%arg9 : memref<128x128xf32, #tpu.memory_space<vmem>>) offsets(%dma_start3A_25 : memref<128xi32, #tpu.memory_space<vmem>>) semaphore(%arg12 : memref<!tpu.dma_semaphore, #tpu.memory_space<semaphore_mem>>)
      %dma_start3A_29 = arith.constant 1 : i32
      %dma_start3A_30 = arith.constant 0 : i32
      %dma_start3A_31 = tpu.memref_slice %arg7[%dma_start3A_29, %dma_start3A_30] : memref<40x128xi32, #tpu.memory_space<vmem>> -> memref<1x128xi32, #tpu.memory_space<vmem>>
      %dma_start3A_32 = tpu.memref_squeeze %dma_start3A_31 : memref<1x128xi32, #tpu.memory_space<vmem>> -> memref<128xi32, #tpu.memory_space<vmem>>
      %dma_start3A_33 = arith.constant 0 : i32
      %dma_start3A_34 = arith.constant 0 : i32
      %dma_start3A_35 = tpu.memref_slice %arg2[%dma_start3A_33, %dma_start3A_34] : memref<10000x128xf32, #tpu.memory_space<hbm>> -> memref<10000x128xf32, #tpu.memory_space<hbm>>
      tpu.enqueue_indirect_dma source(%dma_start3A_35 : memref<10000x128xf32, #tpu.memory_space<hbm>>) target(%arg10 : memref<128x128xf32, #tpu.memory_space<vmem>>) offsets(%dma_start3A_32 : memref<128xi32, #tpu.memory_space<vmem>>) semaphore(%arg13 : memref<!tpu.dma_semaphore, #tpu.memory_space<semaphore_mem>>)
      %scan3A_36 = arith.constant 0 : i32
      %scan3A_37 = arith.constant 0 : i32
      %scan3A_38 = arith.constant 19 : i32
      %scan3A_39 = arith.addi %scan3A_37, %scan3A_38 : i32
      %scan3A_40 = arith.constant 1 : i32
      scf.for %scan3A_56 = %scan3A_37 to %scan3A_39 step %scan3A_40  : i32 {
        %mul3A_57 = arith.constant 2 : i32
        %mul3A_58 = arith.muli %scan3A_56, %mul3A_57 : i32
        %add3A_59 = arith.constant 0 : i32
        %add3A_60 = arith.addi %mul3A_58, %add3A_59 : i32
        %dma_wait3A_61 = arith.constant 0 : i32
        %dma_wait3A_62 = tpu.memref_slice %arg7[%add3A_60, %dma_wait3A_61] : memref<40x128xi32, #tpu.memory_space<vmem>> -> memref<1x128xi32, #tpu.memory_space<vmem>>
        %dma_wait3A_63 = tpu.memref_squeeze %dma_wait3A_62 : memref<1x128xi32, #tpu.memory_space<vmem>> -> memref<128xi32, #tpu.memory_space<vmem>>
        %dma_wait3A_64 = arith.constant 0 : i32
        %dma_wait3A_65 = arith.constant 0 : i32
        %dma_wait3A_66 = tpu.memref_slice %arg2[%dma_wait3A_64, %dma_wait3A_65] : memref<10000x128xf32, #tpu.memory_space<hbm>> -> memref<10000x128xf32, #tpu.memory_space<hbm>>
        tpu.wait_indirect_dma semaphore(%arg12 : memref<!tpu.dma_semaphore, #tpu.memory_space<semaphore_mem>>) src(%dma_wait3A_66 : memref<10000x128xf32, #tpu.memory_space<hbm>>) dst(%arg9 : memref<128x128xf32, #tpu.memory_space<vmem>>)
        "tpu.region"() ({
          %run_scoped3A_93 = tpu.sem_alloc : memref<!tpu.dma_semaphore, #tpu.memory_space<semaphore_mem>>
          %dma_start3A_94 = arith.constant 0 : i32
          %dma_start3A_95 = tpu.memref_slice %arg8[%add3A_60, %dma_start3A_94] : memref<40x128xi32, #tpu.memory_space<vmem>> -> memref<1x128xi32, #tpu.memory_space<vmem>>
          %dma_start3A_96 = tpu.memref_squeeze %dma_start3A_95 : memref<1x128xi32, #tpu.memory_space<vmem>> -> memref<128xi32, #tpu.memory_space<vmem>>
          %dma_start3A_97 = arith.constant 0 : i32
          %dma_start3A_98 = arith.constant 0 : i32
          %dma_start3A_99 = tpu.memref_slice %arg11[%dma_start3A_97, %dma_start3A_98] : memref<10240x128xf32, #tpu.memory_space<vmem_shared>> -> memref<10240x128xf32, #tpu.memory_space<vmem_shared>>
          tpu.enqueue_indirect_dma source(%arg9 : memref<128x128xf32, #tpu.memory_space<vmem>>) target(%dma_start3A_99 : memref<10240x128xf32, #tpu.memory_space<vmem_shared>>) offsets(%dma_start3A_96 : memref<128xi32, #tpu.memory_space<vmem>>) semaphore(%run_scoped3A_93 : memref<!tpu.dma_semaphore, #tpu.memory_space<semaphore_mem>>) {add = true}
          %dma_wait3A_100 = arith.constant 0 : i32
          %dma_wait3A_101 = tpu.memref_slice %arg8[%add3A_60, %dma_wait3A_100] : memref<40x128xi32, #tpu.memory_space<vmem>> -> memref<1x128xi32, #tpu.memory_space<vmem>>
          %dma_wait3A_102 = tpu.memref_squeeze %dma_wait3A_101 : memref<1x128xi32, #tpu.memory_space<vmem>> -> memref<128xi32, #tpu.memory_space<vmem>>
          %dma_wait3A_103 = arith.constant 0 : i32
          %dma_wait3A_104 = arith.constant 0 : i32
          %dma_wait3A_105 = tpu.memref_slice %arg11[%dma_wait3A_103, %dma_wait3A_104] : memref<10240x128xf32, #tpu.memory_space<vmem_shared>> -> memref<10240x128xf32, #tpu.memory_space<vmem_shared>>
          tpu.wait_indirect_dma semaphore(%run_scoped3A_93 : memref<!tpu.dma_semaphore, #tpu.memory_space<semaphore_mem>>) src(%arg9 : memref<128x128xf32, #tpu.memory_space<vmem>>) dst(%dma_wait3A_105 : memref<10240x128xf32, #tpu.memory_space<vmem_shared>>)
          tpu.yield
        }) : () -> ()
        %add3A_67 = arith.constant 2 : i32
        %add3A_68 = arith.addi %add3A_60, %add3A_67 : i32
        %dma_start3A_69 = arith.constant 0 : i32
        %dma_start3A_70 = tpu.memref_slice %arg7[%add3A_68, %dma_start3A_69] : memref<40x128xi32, #tpu.memory_space<vmem>> -> memref<1x128xi32, #tpu.memory_space<vmem>>
        %dma_start3A_71 = tpu.memref_squeeze %dma_start3A_70 : memref<1x128xi32, #tpu.memory_space<vmem>> -> memref<128xi32, #tpu.memory_space<vmem>>
        %dma_start3A_72 = arith.constant 0 : i32
        %dma_start3A_73 = arith.constant 0 : i32
        %dma_start3A_74 = tpu.memref_slice %arg2[%dma_start3A_72, %dma_start3A_73] : memref<10000x128xf32, #tpu.memory_space<hbm>> -> memref<10000x128xf32, #tpu.memory_space<hbm>>
        tpu.enqueue_indirect_dma source(%dma_start3A_74 : memref<10000x128xf32, #tpu.memory_space<hbm>>) target(%arg9 : memref<128x128xf32, #tpu.memory_space<vmem>>) offsets(%dma_start3A_71 : memref<128xi32, #tpu.memory_space<vmem>>) semaphore(%arg12 : memref<!tpu.dma_semaphore, #tpu.memory_space<semaphore_mem>>)
        %mul3A_75 = arith.constant 2 : i32
        %mul3A_76 = arith.muli %scan3A_56, %mul3A_75 : i32
        %add3A_77 = arith.constant 1 : i32
        %add3A_78 = arith.addi %mul3A_76, %add3A_77 : i32
        %dma_wait3A_79 = arith.constant 0 : i32
        %dma_wait3A_80 = tpu.memref_slice %arg7[%add3A_78, %dma_wait3A_79] : memref<40x128xi32, #tpu.memory_space<vmem>> -> memref<1x128xi32, #tpu.memory_space<vmem>>
        %dma_wait3A_81 = tpu.memref_squeeze %dma_wait3A_80 : memref<1x128xi32, #tpu.memory_space<vmem>> -> memref<128xi32, #tpu.memory_space<vmem>>
        %dma_wait3A_82 = arith.constant 0 : i32
        %dma_wait3A_83 = arith.constant 0 : i32
        %dma_wait3A_84 = tpu.memref_slice %arg2[%dma_wait3A_82, %dma_wait3A_83] : memref<10000x128xf32, #tpu.memory_space<hbm>> -> memref<10000x128xf32, #tpu.memory_space<hbm>>
        tpu.wait_indirect_dma semaphore(%arg13 : memref<!tpu.dma_semaphore, #tpu.memory_space<semaphore_mem>>) src(%dma_wait3A_84 : memref<10000x128xf32, #tpu.memory_space<hbm>>) dst(%arg10 : memref<128x128xf32, #tpu.memory_space<vmem>>)
        "tpu.region"() ({
          %run_scoped3A_93 = tpu.sem_alloc : memref<!tpu.dma_semaphore, #tpu.memory_space<semaphore_mem>>
          %dma_start3A_94 = arith.constant 0 : i32
          %dma_start3A_95 = tpu.memref_slice %arg8[%add3A_78, %dma_start3A_94] : memref<40x128xi32, #tpu.memory_space<vmem>> -> memref<1x128xi32, #tpu.memory_space<vmem>>
          %dma_start3A_96 = tpu.memref_squeeze %dma_start3A_95 : memref<1x128xi32, #tpu.memory_space<vmem>> -> memref<128xi32, #tpu.memory_space<vmem>>
          %dma_start3A_97 = arith.constant 0 : i32
          %dma_start3A_98 = arith.constant 0 : i32
          %dma_start3A_99 = tpu.memref_slice %arg11[%dma_start3A_97, %dma_start3A_98] : memref<10240x128xf32, #tpu.memory_space<vmem_shared>> -> memref<10240x128xf32, #tpu.memory_space<vmem_shared>>
          tpu.enqueue_indirect_dma source(%arg10 : memref<128x128xf32, #tpu.memory_space<vmem>>) target(%dma_start3A_99 : memref<10240x128xf32, #tpu.memory_space<vmem_shared>>) offsets(%dma_start3A_96 : memref<128xi32, #tpu.memory_space<vmem>>) semaphore(%run_scoped3A_93 : memref<!tpu.dma_semaphore, #tpu.memory_space<semaphore_mem>>) {add = true}
          %dma_wait3A_100 = arith.constant 0 : i32
          %dma_wait3A_101 = tpu.memref_slice %arg8[%add3A_78, %dma_wait3A_100] : memref<40x128xi32, #tpu.memory_space<vmem>> -> memref<1x128xi32, #tpu.memory_space<vmem>>
          %dma_wait3A_102 = tpu.memref_squeeze %dma_wait3A_101 : memref<1x128xi32, #tpu.memory_space<vmem>> -> memref<128xi32, #tpu.memory_space<vmem>>
          %dma_wait3A_103 = arith.constant 0 : i32
          %dma_wait3A_104 = arith.constant 0 : i32
          %dma_wait3A_105 = tpu.memref_slice %arg11[%dma_wait3A_103, %dma_wait3A_104] : memref<10240x128xf32, #tpu.memory_space<vmem_shared>> -> memref<10240x128xf32, #tpu.memory_space<vmem_shared>>
          tpu.wait_indirect_dma semaphore(%run_scoped3A_93 : memref<!tpu.dma_semaphore, #tpu.memory_space<semaphore_mem>>) src(%arg10 : memref<128x128xf32, #tpu.memory_space<vmem>>) dst(%dma_wait3A_105 : memref<10240x128xf32, #tpu.memory_space<vmem_shared>>)
          tpu.yield
        }) : () -> ()
        %add3A_85 = arith.constant 2 : i32
        %add3A_86 = arith.addi %add3A_78, %add3A_85 : i32
        %dma_start3A_87 = arith.constant 0 : i32
        %dma_start3A_88 = tpu.memref_slice %arg7[%add3A_86, %dma_start3A_87] : memref<40x128xi32, #tpu.memory_space<vmem>> -> memref<1x128xi32, #tpu.memory_space<vmem>>
        %dma_start3A_89 = tpu.memref_squeeze %dma_start3A_88 : memref<1x128xi32, #tpu.memory_space<vmem>> -> memref<128xi32, #tpu.memory_space<vmem>>
        %dma_start3A_90 = arith.constant 0 : i32
        %dma_start3A_91 = arith.constant 0 : i32
        %dma_start3A_92 = tpu.memref_slice %arg2[%dma_start3A_90, %dma_start3A_91] : memref<10000x128xf32, #tpu.memory_space<hbm>> -> memref<10000x128xf32, #tpu.memory_space<hbm>>
        tpu.enqueue_indirect_dma source(%dma_start3A_92 : memref<10000x128xf32, #tpu.memory_space<hbm>>) target(%arg10 : memref<128x128xf32, #tpu.memory_space<vmem>>) offsets(%dma_start3A_89 : memref<128xi32, #tpu.memory_space<vmem>>) semaphore(%arg13 : memref<!tpu.dma_semaphore, #tpu.memory_space<semaphore_mem>>)
      }
      %scan3A_41 = arith.constant 19 : i32
      %dma_wait3A = arith.constant 38 : i32
      %dma_wait3A_42 = arith.constant 0 : i32
      %dma_wait3A_43 = tpu.memref_slice %arg7[%dma_wait3A, %dma_wait3A_42] : memref<40x128xi32, #tpu.memory_space<vmem>> -> memref<1x128xi32, #tpu.memory_space<vmem>>
      %dma_wait3A_44 = tpu.memref_squeeze %dma_wait3A_43 : memref<1x128xi32, #tpu.memory_space<vmem>> -> memref<128xi32, #tpu.memory_space<vmem>>
      %dma_wait3A_45 = arith.constant 0 : i32
      %dma_wait3A_46 = arith.constant 0 : i32
      %dma_wait3A_47 = tpu.memref_slice %arg2[%dma_wait3A_45, %dma_wait3A_46] : memref<10000x128xf32, #tpu.memory_space<hbm>> -> memref<10000x128xf32, #tpu.memory_space<hbm>>
      tpu.wait_indirect_dma semaphore(%arg12 : memref<!tpu.dma_semaphore, #tpu.memory_space<semaphore_mem>>) src(%dma_wait3A_47 : memref<10000x128xf32, #tpu.memory_space<hbm>>) dst(%arg9 : memref<128x128xf32, #tpu.memory_space<vmem>>)
      %run_scoped3A = arith.constant 38 : i32
      "tpu.region"() ({
        %run_scoped3A_56 = tpu.sem_alloc : memref<!tpu.dma_semaphore, #tpu.memory_space<semaphore_mem>>
        %dma_start3A_57 = arith.constant 0 : i32
        %dma_start3A_58 = tpu.memref_slice %arg8[%run_scoped3A, %dma_start3A_57] : memref<40x128xi32, #tpu.memory_space<vmem>> -> memref<1x128xi32, #tpu.memory_space<vmem>>
        %dma_start3A_59 = tpu.memref_squeeze %dma_start3A_58 : memref<1x128xi32, #tpu.memory_space<vmem>> -> memref<128xi32, #tpu.memory_space<vmem>>
        %dma_start3A_60 = arith.constant 0 : i32
        %dma_start3A_61 = arith.constant 0 : i32
        %dma_start3A_62 = tpu.memref_slice %arg11[%dma_start3A_60, %dma_start3A_61] : memref<10240x128xf32, #tpu.memory_space<vmem_shared>> -> memref<10240x128xf32, #tpu.memory_space<vmem_shared>>
        tpu.enqueue_indirect_dma source(%arg9 : memref<128x128xf32, #tpu.memory_space<vmem>>) target(%dma_start3A_62 : memref<10240x128xf32, #tpu.memory_space<vmem_shared>>) offsets(%dma_start3A_59 : memref<128xi32, #tpu.memory_space<vmem>>) semaphore(%run_scoped3A_56 : memref<!tpu.dma_semaphore, #tpu.memory_space<semaphore_mem>>) {add = true}
        %dma_wait3A_63 = arith.constant 0 : i32
        %dma_wait3A_64 = tpu.memref_slice %arg8[%run_scoped3A, %dma_wait3A_63] : memref<40x128xi32, #tpu.memory_space<vmem>> -> memref<1x128xi32, #tpu.memory_space<vmem>>
        %dma_wait3A_65 = tpu.memref_squeeze %dma_wait3A_64 : memref<1x128xi32, #tpu.memory_space<vmem>> -> memref<128xi32, #tpu.memory_space<vmem>>
        %dma_wait3A_66 = arith.constant 0 : i32
        %dma_wait3A_67 = arith.constant 0 : i32
        %dma_wait3A_68 = tpu.memref_slice %arg11[%dma_wait3A_66, %dma_wait3A_67] : memref<10240x128xf32, #tpu.memory_space<vmem_shared>> -> memref<10240x128xf32, #tpu.memory_space<vmem_shared>>
        tpu.wait_indirect_dma semaphore(%run_scoped3A_56 : memref<!tpu.dma_semaphore, #tpu.memory_space<semaphore_mem>>) src(%arg9 : memref<128x128xf32, #tpu.memory_space<vmem>>) dst(%dma_wait3A_68 : memref<10240x128xf32, #tpu.memory_space<vmem_shared>>)
        tpu.yield
      }) : () -> ()
      %dma_wait3A_48 = arith.constant 39 : i32
      %dma_wait3A_49 = arith.constant 0 : i32
      %dma_wait3A_50 = tpu.memref_slice %arg7[%dma_wait3A_48, %dma_wait3A_49] : memref<40x128xi32, #tpu.memory_space<vmem>> -> memref<1x128xi32, #tpu.memory_space<vmem>>
      %dma_wait3A_51 = tpu.memref_squeeze %dma_wait3A_50 : memref<1x128xi32, #tpu.memory_space<vmem>> -> memref<128xi32, #tpu.memory_space<vmem>>
      %dma_wait3A_52 = arith.constant 0 : i32
      %dma_wait3A_53 = arith.constant 0 : i32
      %dma_wait3A_54 = tpu.memref_slice %arg2[%dma_wait3A_52, %dma_wait3A_53] : memref<10000x128xf32, #tpu.memory_space<hbm>> -> memref<10000x128xf32, #tpu.memory_space<hbm>>
      tpu.wait_indirect_dma semaphore(%arg13 : memref<!tpu.dma_semaphore, #tpu.memory_space<semaphore_mem>>) src(%dma_wait3A_54 : memref<10000x128xf32, #tpu.memory_space<hbm>>) dst(%arg10 : memref<128x128xf32, #tpu.memory_space<vmem>>)
      %run_scoped3A_55 = arith.constant 39 : i32
      "tpu.region"() ({
        %run_scoped3A_56 = tpu.sem_alloc : memref<!tpu.dma_semaphore, #tpu.memory_space<semaphore_mem>>
        %dma_start3A_57 = arith.constant 0 : i32
        %dma_start3A_58 = tpu.memref_slice %arg8[%run_scoped3A_55, %dma_start3A_57] : memref<40x128xi32, #tpu.memory_space<vmem>> -> memref<1x128xi32, #tpu.memory_space<vmem>>
        %dma_start3A_59 = tpu.memref_squeeze %dma_start3A_58 : memref<1x128xi32, #tpu.memory_space<vmem>> -> memref<128xi32, #tpu.memory_space<vmem>>
        %dma_start3A_60 = arith.constant 0 : i32
        %dma_start3A_61 = arith.constant 0 : i32
        %dma_start3A_62 = tpu.memref_slice %arg11[%dma_start3A_60, %dma_start3A_61] : memref<10240x128xf32, #tpu.memory_space<vmem_shared>> -> memref<10240x128xf32, #tpu.memory_space<vmem_shared>>
        tpu.enqueue_indirect_dma source(%arg10 : memref<128x128xf32, #tpu.memory_space<vmem>>) target(%dma_start3A_62 : memref<10240x128xf32, #tpu.memory_space<vmem_shared>>) offsets(%dma_start3A_59 : memref<128xi32, #tpu.memory_space<vmem>>) semaphore(%run_scoped3A_56 : memref<!tpu.dma_semaphore, #tpu.memory_space<semaphore_mem>>) {add = true}
        %dma_wait3A_63 = arith.constant 0 : i32
        %dma_wait3A_64 = tpu.memref_slice %arg8[%run_scoped3A_55, %dma_wait3A_63] : memref<40x128xi32, #tpu.memory_space<vmem>> -> memref<1x128xi32, #tpu.memory_space<vmem>>
        %dma_wait3A_65 = tpu.memref_squeeze %dma_wait3A_64 : memref<1x128xi32, #tpu.memory_space<vmem>> -> memref<128xi32, #tpu.memory_space<vmem>>
        %dma_wait3A_66 = arith.constant 0 : i32
        %dma_wait3A_67 = arith.constant 0 : i32
        %dma_wait3A_68 = tpu.memref_slice %arg11[%dma_wait3A_66, %dma_wait3A_67] : memref<10240x128xf32, #tpu.memory_space<vmem_shared>> -> memref<10240x128xf32, #tpu.memory_space<vmem_shared>>
        tpu.wait_indirect_dma semaphore(%run_scoped3A_56 : memref<!tpu.dma_semaphore, #tpu.memory_space<semaphore_mem>>) src(%arg10 : memref<128x128xf32, #tpu.memory_space<vmem>>) dst(%dma_wait3A_68 : memref<10240x128xf32, #tpu.memory_space<vmem_shared>>)
        tpu.yield
      }) : () -> ()
    }
    %scan3A_13 = arith.constant 2 : i32
    %barrier3A_14 = arith.constant 0 : index
    tpu.barrier barrier_id(%barrier3A_14)
    %mul3A_15 = arith.constant 640 : i32
    %mul3A_16 = arith.muli %arg1, %mul3A_15 : i32
    %mul3A_17 = arith.constant 640 : i32
    %mul3A_18 = arith.muli %arg1, %mul3A_17 : i32
    "tpu.region"() ({
      %run_scoped3A = tpu.sem_alloc : memref<!tpu.dma_semaphore, #tpu.memory_space<semaphore_mem>>
      %dma_start3A = arith.constant 0 : i32
      %dma_start3A_19 = tpu.memref_slice %arg6[%arg0, %mul3A_18, %dma_start3A] : memref<2x10240x128xf32, #tpu.memory_space<hbm>> -> memref<1x640x128xf32, #tpu.memory_space<hbm>>
      %dma_start3A_20 = tpu.memref_squeeze %dma_start3A_19 : memref<1x640x128xf32, #tpu.memory_space<hbm>> -> memref<640x128xf32, #tpu.memory_space<hbm>>
      %dma_start3A_21 = arith.constant 0 : i32
      %dma_start3A_22 = tpu.memref_slice %arg11[%mul3A_16, %dma_start3A_21] : memref<10240x128xf32, #tpu.memory_space<vmem_shared>> -> memref<640x128xf32, #tpu.memory_space<vmem_shared>>
      tpu.enqueue_dma source(%dma_start3A_22 : memref<640x128xf32, #tpu.memory_space<vmem_shared>>) target(%dma_start3A_20 : memref<640x128xf32, #tpu.memory_space<hbm>>) target_semaphore(%run_scoped3A : memref<!tpu.dma_semaphore, #tpu.memory_space<semaphore_mem>>)
      %dma_wait3A = arith.constant 0 : i32
      %dma_wait3A_23 = tpu.memref_slice %arg6[%arg0, %mul3A_18, %dma_wait3A] : memref<2x10240x128xf32, #tpu.memory_space<hbm>> -> memref<1x640x128xf32, #tpu.memory_space<hbm>>
      %dma_wait3A_24 = tpu.memref_squeeze %dma_wait3A_23 : memref<1x640x128xf32, #tpu.memory_space<hbm>> -> memref<640x128xf32, #tpu.memory_space<hbm>>
      %dma_wait3A_25 = arith.constant 0 : i32
      %dma_wait3A_26 = tpu.memref_slice %arg11[%mul3A_16, %dma_wait3A_25] : memref<10240x128xf32, #tpu.memory_space<vmem_shared>> -> memref<640x128xf32, #tpu.memory_space<vmem_shared>>
      tpu.wait_dma2 semaphore(%run_scoped3A : memref<!tpu.dma_semaphore, #tpu.memory_space<semaphore_mem>>) src(%dma_wait3A_26 : memref<640x128xf32, #tpu.memory_space<vmem_shared>>) dst(%dma_wait3A_24 : memref<640x128xf32, #tpu.memory_space<hbm>>)
      tpu.yield
    }) : () -> ()
    return
  }
}

#map = affine_map<(d0, d1) -> (0, 0)>
#map1 = affine_map<(d0, d1) -> (0, 0, 0)>
module attributes {stable_mosaic.version = 14 : i64} {
  func.func @_sc_degree(%arg0: i32, %arg1: i32, %arg2: memref<2560x128xi32, #tpu.memory_space<hbm>>, %arg3: memref<128x128xf32, #tpu.memory_space<hbm>>, %arg4: memref<320x128xf32, #tpu.memory_space<hbm>>, %arg5: memref<2x10240x128xf32, #tpu.memory_space<hbm>>, %arg6: memref<80x128xi32, #tpu.memory_space<vmem>>, %arg7: memref<128x128xf32, #tpu.memory_space<vmem>>, %arg8: memref<10240x128xf32, #tpu.memory_space<vmem_shared>>, %arg9: memref<!tpu.dma_semaphore, #tpu.memory_space<semaphore_mem>>, %arg10: memref<!tpu.dma_semaphore, #tpu.memory_space<semaphore_mem>>, %arg11: memref<!tpu.dma_semaphore, #tpu.memory_space<semaphore_mem>>, %arg12: memref<!tpu.dma_semaphore, #tpu.memory_space<semaphore_mem>>) attributes {dimension_semantics = [#tpu.dimension_semantics<core_parallel>, #tpu.dimension_semantics<subcore_parallel>], iteration_bounds = array<i64: 2, 16>, scalar_prefetch = 0 : i64, scratch_operands = 7 : i64, tpu.core_type = #tpu.core_type<sc_vector_subcore>, window_params = [{transform_indices = #map}, {transform_indices = #map}, {transform_indices = #map}, {transform_indices = #map1}]} {
    %mul3A = arith.constant 16 : i32
    %mul3A_0 = arith.muli %arg0, %mul3A : i32
    %add3A = arith.addi %mul3A_0, %arg1 : i32
    %mul3A_1 = arith.constant 640 : i32
    %mul3A_2 = arith.muli %arg1, %mul3A_1 : i32
    "tpu.region"() ({
      %run_scoped3A = tpu.sem_alloc : memref<!tpu.dma_semaphore, #tpu.memory_space<semaphore_mem>>
      %dma_start3A_73 = arith.constant 0 : i32
      %dma_start3A_74 = tpu.memref_slice %arg8[%mul3A_2, %dma_start3A_73] : memref<10240x128xf32, #tpu.memory_space<vmem_shared>> -> memref<320x128xf32, #tpu.memory_space<vmem_shared>>
      tpu.enqueue_dma source(%arg4 : memref<320x128xf32, #tpu.memory_space<hbm>>) target(%dma_start3A_74 : memref<320x128xf32, #tpu.memory_space<vmem_shared>>) target_semaphore(%run_scoped3A : memref<!tpu.dma_semaphore, #tpu.memory_space<semaphore_mem>>)
      %dma_wait3A_75 = arith.constant 0 : i32
      %dma_wait3A_76 = tpu.memref_slice %arg8[%mul3A_2, %dma_wait3A_75] : memref<10240x128xf32, #tpu.memory_space<vmem_shared>> -> memref<320x128xf32, #tpu.memory_space<vmem_shared>>
      tpu.wait_dma2 semaphore(%run_scoped3A : memref<!tpu.dma_semaphore, #tpu.memory_space<semaphore_mem>>) src(%arg4 : memref<320x128xf32, #tpu.memory_space<hbm>>) dst(%dma_wait3A_76 : memref<320x128xf32, #tpu.memory_space<vmem_shared>>)
      tpu.yield
    }) : () -> ()
    %mul3A_3 = arith.constant 640 : i32
    %mul3A_4 = arith.muli %arg1, %mul3A_3 : i32
    %add3A_5 = arith.constant 320 : i32
    %add3A_6 = arith.addi %mul3A_4, %add3A_5 : i32
    "tpu.region"() ({
      %run_scoped3A = tpu.sem_alloc : memref<!tpu.dma_semaphore, #tpu.memory_space<semaphore_mem>>
      %dma_start3A_73 = arith.constant 0 : i32
      %dma_start3A_74 = tpu.memref_slice %arg8[%add3A_6, %dma_start3A_73] : memref<10240x128xf32, #tpu.memory_space<vmem_shared>> -> memref<320x128xf32, #tpu.memory_space<vmem_shared>>
      tpu.enqueue_dma source(%arg4 : memref<320x128xf32, #tpu.memory_space<hbm>>) target(%dma_start3A_74 : memref<320x128xf32, #tpu.memory_space<vmem_shared>>) target_semaphore(%run_scoped3A : memref<!tpu.dma_semaphore, #tpu.memory_space<semaphore_mem>>)
      %dma_wait3A_75 = arith.constant 0 : i32
      %dma_wait3A_76 = tpu.memref_slice %arg8[%add3A_6, %dma_wait3A_75] : memref<10240x128xf32, #tpu.memory_space<vmem_shared>> -> memref<320x128xf32, #tpu.memory_space<vmem_shared>>
      tpu.wait_dma2 semaphore(%run_scoped3A : memref<!tpu.dma_semaphore, #tpu.memory_space<semaphore_mem>>) src(%arg4 : memref<320x128xf32, #tpu.memory_space<hbm>>) dst(%dma_wait3A_76 : memref<320x128xf32, #tpu.memory_space<vmem_shared>>)
      tpu.yield
    }) : () -> ()
    "tpu.region"() ({
      %run_scoped3A = tpu.sem_alloc : memref<!tpu.dma_semaphore, #tpu.memory_space<semaphore_mem>>
      tpu.enqueue_dma source(%arg3 : memref<128x128xf32, #tpu.memory_space<hbm>>) target(%arg7 : memref<128x128xf32, #tpu.memory_space<vmem>>) target_semaphore(%run_scoped3A : memref<!tpu.dma_semaphore, #tpu.memory_space<semaphore_mem>>)
      tpu.wait_dma2 semaphore(%run_scoped3A : memref<!tpu.dma_semaphore, #tpu.memory_space<semaphore_mem>>) src(%arg3 : memref<128x128xf32, #tpu.memory_space<hbm>>) dst(%arg7 : memref<128x128xf32, #tpu.memory_space<vmem>>)
      tpu.yield
    }) : () -> ()
    %mul3A_7 = arith.constant 80 : i32
    %mul3A_8 = arith.muli %add3A, %mul3A_7 : i32
    "tpu.region"() ({
      %run_scoped3A = tpu.sem_alloc : memref<!tpu.dma_semaphore, #tpu.memory_space<semaphore_mem>>
      %dma_start3A_73 = arith.constant 0 : i32
      %dma_start3A_74 = tpu.memref_slice %arg2[%mul3A_8, %dma_start3A_73] : memref<2560x128xi32, #tpu.memory_space<hbm>> -> memref<80x128xi32, #tpu.memory_space<hbm>>
      %dma_start3A_75 = arith.constant 0 : i32
      %dma_start3A_76 = tpu.memref_slice %arg2[%mul3A_8, %dma_start3A_75] : memref<2560x128xi32, #tpu.memory_space<hbm>> -> memref<80x128xi32, #tpu.memory_space<hbm>>
      tpu.enqueue_dma source(%dma_start3A_76 : memref<80x128xi32, #tpu.memory_space<hbm>>) target(%arg6 : memref<80x128xi32, #tpu.memory_space<vmem>>) target_semaphore(%run_scoped3A : memref<!tpu.dma_semaphore, #tpu.memory_space<semaphore_mem>>)
      %dma_wait3A_77 = arith.constant 0 : i32
      %dma_wait3A_78 = tpu.memref_slice %arg2[%mul3A_8, %dma_wait3A_77] : memref<2560x128xi32, #tpu.memory_space<hbm>> -> memref<80x128xi32, #tpu.memory_space<hbm>>
      %dma_wait3A_79 = arith.constant 0 : i32
      %dma_wait3A_80 = tpu.memref_slice %arg2[%mul3A_8, %dma_wait3A_79] : memref<2560x128xi32, #tpu.memory_space<hbm>> -> memref<80x128xi32, #tpu.memory_space<hbm>>
      tpu.wait_dma2 semaphore(%run_scoped3A : memref<!tpu.dma_semaphore, #tpu.memory_space<semaphore_mem>>) src(%dma_wait3A_80 : memref<80x128xi32, #tpu.memory_space<hbm>>) dst(%arg6 : memref<80x128xi32, #tpu.memory_space<vmem>>)
      tpu.yield
    }) : () -> ()
    %barrier3A = arith.constant 0 : index
    tpu.barrier barrier_id(%barrier3A)
    %dma_start3A = arith.constant 0 : i32
    %dma_start3A_9 = arith.constant 0 : i32
    %dma_start3A_10 = tpu.memref_slice %arg6[%dma_start3A, %dma_start3A_9] : memref<80x128xi32, #tpu.memory_space<vmem>> -> memref<1x128xi32, #tpu.memory_space<vmem>>
    %dma_start3A_11 = tpu.memref_squeeze %dma_start3A_10 : memref<1x128xi32, #tpu.memory_space<vmem>> -> memref<128xi32, #tpu.memory_space<vmem>>
    %dma_start3A_12 = arith.constant 0 : i32
    %dma_start3A_13 = arith.constant 0 : i32
    %dma_start3A_14 = tpu.memref_slice %arg8[%dma_start3A_12, %dma_start3A_13] : memref<10240x128xf32, #tpu.memory_space<vmem_shared>> -> memref<10240x128xf32, #tpu.memory_space<vmem_shared>>
    tpu.enqueue_indirect_dma source(%arg7 : memref<128x128xf32, #tpu.memory_space<vmem>>) target(%dma_start3A_14 : memref<10240x128xf32, #tpu.memory_space<vmem_shared>>) offsets(%dma_start3A_11 : memref<128xi32, #tpu.memory_space<vmem>>) semaphore(%arg9 : memref<!tpu.dma_semaphore, #tpu.memory_space<semaphore_mem>>) {add = true}
    %dma_start3A_15 = arith.constant 1 : i32
    %dma_start3A_16 = arith.constant 0 : i32
    %dma_start3A_17 = tpu.memref_slice %arg6[%dma_start3A_15, %dma_start3A_16] : memref<80x128xi32, #tpu.memory_space<vmem>> -> memref<1x128xi32, #tpu.memory_space<vmem>>
    %dma_start3A_18 = tpu.memref_squeeze %dma_start3A_17 : memref<1x128xi32, #tpu.memory_space<vmem>> -> memref<128xi32, #tpu.memory_space<vmem>>
    %dma_start3A_19 = arith.constant 0 : i32
    %dma_start3A_20 = arith.constant 0 : i32
    %dma_start3A_21 = tpu.memref_slice %arg8[%dma_start3A_19, %dma_start3A_20] : memref<10240x128xf32, #tpu.memory_space<vmem_shared>> -> memref<10240x128xf32, #tpu.memory_space<vmem_shared>>
    tpu.enqueue_indirect_dma source(%arg7 : memref<128x128xf32, #tpu.memory_space<vmem>>) target(%dma_start3A_21 : memref<10240x128xf32, #tpu.memory_space<vmem_shared>>) offsets(%dma_start3A_18 : memref<128xi32, #tpu.memory_space<vmem>>) semaphore(%arg10 : memref<!tpu.dma_semaphore, #tpu.memory_space<semaphore_mem>>) {add = true}
    %dma_start3A_22 = arith.constant 2 : i32
    %dma_start3A_23 = arith.constant 0 : i32
    %dma_start3A_24 = tpu.memref_slice %arg6[%dma_start3A_22, %dma_start3A_23] : memref<80x128xi32, #tpu.memory_space<vmem>> -> memref<1x128xi32, #tpu.memory_space<vmem>>
    %dma_start3A_25 = tpu.memref_squeeze %dma_start3A_24 : memref<1x128xi32, #tpu.memory_space<vmem>> -> memref<128xi32, #tpu.memory_space<vmem>>
    %dma_start3A_26 = arith.constant 0 : i32
    %dma_start3A_27 = arith.constant 0 : i32
    %dma_start3A_28 = tpu.memref_slice %arg8[%dma_start3A_26, %dma_start3A_27] : memref<10240x128xf32, #tpu.memory_space<vmem_shared>> -> memref<10240x128xf32, #tpu.memory_space<vmem_shared>>
    tpu.enqueue_indirect_dma source(%arg7 : memref<128x128xf32, #tpu.memory_space<vmem>>) target(%dma_start3A_28 : memref<10240x128xf32, #tpu.memory_space<vmem_shared>>) offsets(%dma_start3A_25 : memref<128xi32, #tpu.memory_space<vmem>>) semaphore(%arg11 : memref<!tpu.dma_semaphore, #tpu.memory_space<semaphore_mem>>) {add = true}
    %dma_start3A_29 = arith.constant 3 : i32
    %dma_start3A_30 = arith.constant 0 : i32
    %dma_start3A_31 = tpu.memref_slice %arg6[%dma_start3A_29, %dma_start3A_30] : memref<80x128xi32, #tpu.memory_space<vmem>> -> memref<1x128xi32, #tpu.memory_space<vmem>>
    %dma_start3A_32 = tpu.memref_squeeze %dma_start3A_31 : memref<1x128xi32, #tpu.memory_space<vmem>> -> memref<128xi32, #tpu.memory_space<vmem>>
    %dma_start3A_33 = arith.constant 0 : i32
    %dma_start3A_34 = arith.constant 0 : i32
    %dma_start3A_35 = tpu.memref_slice %arg8[%dma_start3A_33, %dma_start3A_34] : memref<10240x128xf32, #tpu.memory_space<vmem_shared>> -> memref<10240x128xf32, #tpu.memory_space<vmem_shared>>
    tpu.enqueue_indirect_dma source(%arg7 : memref<128x128xf32, #tpu.memory_space<vmem>>) target(%dma_start3A_35 : memref<10240x128xf32, #tpu.memory_space<vmem_shared>>) offsets(%dma_start3A_32 : memref<128xi32, #tpu.memory_space<vmem>>) semaphore(%arg12 : memref<!tpu.dma_semaphore, #tpu.memory_space<semaphore_mem>>) {add = true}
    %scan3A = arith.constant 0 : i32
    %scan3A_36 = arith.constant 0 : i32
    %scan3A_37 = arith.constant 19 : i32
    %scan3A_38 = arith.addi %scan3A_36, %scan3A_37 : i32
    %scan3A_39 = arith.constant 1 : i32
    scf.for %scan3A_73 = %scan3A_36 to %scan3A_38 step %scan3A_39  : i32 {
      %add3A_74 = arith.constant 1 : i32
      %add3A_75 = arith.addi %scan3A_73, %add3A_74 : i32
      %mul3A_76 = arith.constant 4 : i32
      %mul3A_77 = arith.muli %add3A_75, %mul3A_76 : i32
      %add3A_78 = arith.constant 0 : i32
      %add3A_79 = arith.addi %mul3A_77, %add3A_78 : i32
      %sub3A = arith.constant 4 : i32
      %sub3A_80 = arith.subi %add3A_79, %sub3A : i32
      %dma_wait3A_81 = arith.constant 0 : i32
      %dma_wait3A_82 = tpu.memref_slice %arg6[%sub3A_80, %dma_wait3A_81] : memref<80x128xi32, #tpu.memory_space<vmem>> -> memref<1x128xi32, #tpu.memory_space<vmem>>
      %dma_wait3A_83 = tpu.memref_squeeze %dma_wait3A_82 : memref<1x128xi32, #tpu.memory_space<vmem>> -> memref<128xi32, #tpu.memory_space<vmem>>
      %dma_wait3A_84 = arith.constant 0 : i32
      %dma_wait3A_85 = arith.constant 0 : i32
      %dma_wait3A_86 = tpu.memref_slice %arg8[%dma_wait3A_84, %dma_wait3A_85] : memref<10240x128xf32, #tpu.memory_space<vmem_shared>> -> memref<10240x128xf32, #tpu.memory_space<vmem_shared>>
      tpu.wait_indirect_dma semaphore(%arg9 : memref<!tpu.dma_semaphore, #tpu.memory_space<semaphore_mem>>) src(%arg7 : memref<128x128xf32, #tpu.memory_space<vmem>>) dst(%dma_wait3A_86 : memref<10240x128xf32, #tpu.memory_space<vmem_shared>>)
      %dma_start3A_87 = arith.constant 0 : i32
      %dma_start3A_88 = tpu.memref_slice %arg6[%add3A_79, %dma_start3A_87] : memref<80x128xi32, #tpu.memory_space<vmem>> -> memref<1x128xi32, #tpu.memory_space<vmem>>
      %dma_start3A_89 = tpu.memref_squeeze %dma_start3A_88 : memref<1x128xi32, #tpu.memory_space<vmem>> -> memref<128xi32, #tpu.memory_space<vmem>>
      %dma_start3A_90 = arith.constant 0 : i32
      %dma_start3A_91 = arith.constant 0 : i32
      %dma_start3A_92 = tpu.memref_slice %arg8[%dma_start3A_90, %dma_start3A_91] : memref<10240x128xf32, #tpu.memory_space<vmem_shared>> -> memref<10240x128xf32, #tpu.memory_space<vmem_shared>>
      tpu.enqueue_indirect_dma source(%arg7 : memref<128x128xf32, #tpu.memory_space<vmem>>) target(%dma_start3A_92 : memref<10240x128xf32, #tpu.memory_space<vmem_shared>>) offsets(%dma_start3A_89 : memref<128xi32, #tpu.memory_space<vmem>>) semaphore(%arg9 : memref<!tpu.dma_semaphore, #tpu.memory_space<semaphore_mem>>) {add = true}
      %add3A_93 = arith.constant 1 : i32
      %add3A_94 = arith.addi %scan3A_73, %add3A_93 : i32
      %mul3A_95 = arith.constant 4 : i32
      %mul3A_96 = arith.muli %add3A_94, %mul3A_95 : i32
      %add3A_97 = arith.constant 1 : i32
      %add3A_98 = arith.addi %mul3A_96, %add3A_97 : i32
      %sub3A_99 = arith.constant 4 : i32
      %sub3A_100 = arith.subi %add3A_98, %sub3A_99 : i32
      %dma_wait3A_101 = arith.constant 0 : i32
      %dma_wait3A_102 = tpu.memref_slice %arg6[%sub3A_100, %dma_wait3A_101] : memref<80x128xi32, #tpu.memory_space<vmem>> -> memref<1x128xi32, #tpu.memory_space<vmem>>
      %dma_wait3A_103 = tpu.memref_squeeze %dma_wait3A_102 : memref<1x128xi32, #tpu.memory_space<vmem>> -> memref<128xi32, #tpu.memory_space<vmem>>
      %dma_wait3A_104 = arith.constant 0 : i32
      %dma_wait3A_105 = arith.constant 0 : i32
      %dma_wait3A_106 = tpu.memref_slice %arg8[%dma_wait3A_104, %dma_wait3A_105] : memref<10240x128xf32, #tpu.memory_space<vmem_shared>> -> memref<10240x128xf32, #tpu.memory_space<vmem_shared>>
      tpu.wait_indirect_dma semaphore(%arg10 : memref<!tpu.dma_semaphore, #tpu.memory_space<semaphore_mem>>) src(%arg7 : memref<128x128xf32, #tpu.memory_space<vmem>>) dst(%dma_wait3A_106 : memref<10240x128xf32, #tpu.memory_space<vmem_shared>>)
      %dma_start3A_107 = arith.constant 0 : i32
      %dma_start3A_108 = tpu.memref_slice %arg6[%add3A_98, %dma_start3A_107] : memref<80x128xi32, #tpu.memory_space<vmem>> -> memref<1x128xi32, #tpu.memory_space<vmem>>
      %dma_start3A_109 = tpu.memref_squeeze %dma_start3A_108 : memref<1x128xi32, #tpu.memory_space<vmem>> -> memref<128xi32, #tpu.memory_space<vmem>>
      %dma_start3A_110 = arith.constant 0 : i32
      %dma_start3A_111 = arith.constant 0 : i32
      %dma_start3A_112 = tpu.memref_slice %arg8[%dma_start3A_110, %dma_start3A_111] : memref<10240x128xf32, #tpu.memory_space<vmem_shared>> -> memref<10240x128xf32, #tpu.memory_space<vmem_shared>>
      tpu.enqueue_indirect_dma source(%arg7 : memref<128x128xf32, #tpu.memory_space<vmem>>) target(%dma_start3A_112 : memref<10240x128xf32, #tpu.memory_space<vmem_shared>>) offsets(%dma_start3A_109 : memref<128xi32, #tpu.memory_space<vmem>>) semaphore(%arg10 : memref<!tpu.dma_semaphore, #tpu.memory_space<semaphore_mem>>) {add = true}
      %add3A_113 = arith.constant 1 : i32
      %add3A_114 = arith.addi %scan3A_73, %add3A_113 : i32
      %mul3A_115 = arith.constant 4 : i32
      %mul3A_116 = arith.muli %add3A_114, %mul3A_115 : i32
      %add3A_117 = arith.constant 2 : i32
      %add3A_118 = arith.addi %mul3A_116, %add3A_117 : i32
      %sub3A_119 = arith.constant 4 : i32
      %sub3A_120 = arith.subi %add3A_118, %sub3A_119 : i32
      %dma_wait3A_121 = arith.constant 0 : i32
      %dma_wait3A_122 = tpu.memref_slice %arg6[%sub3A_120, %dma_wait3A_121] : memref<80x128xi32, #tpu.memory_space<vmem>> -> memref<1x128xi32, #tpu.memory_space<vmem>>
      %dma_wait3A_123 = tpu.memref_squeeze %dma_wait3A_122 : memref<1x128xi32, #tpu.memory_space<vmem>> -> memref<128xi32, #tpu.memory_space<vmem>>
      %dma_wait3A_124 = arith.constant 0 : i32
      %dma_wait3A_125 = arith.constant 0 : i32
      %dma_wait3A_126 = tpu.memref_slice %arg8[%dma_wait3A_124, %dma_wait3A_125] : memref<10240x128xf32, #tpu.memory_space<vmem_shared>> -> memref<10240x128xf32, #tpu.memory_space<vmem_shared>>
      tpu.wait_indirect_dma semaphore(%arg11 : memref<!tpu.dma_semaphore, #tpu.memory_space<semaphore_mem>>) src(%arg7 : memref<128x128xf32, #tpu.memory_space<vmem>>) dst(%dma_wait3A_126 : memref<10240x128xf32, #tpu.memory_space<vmem_shared>>)
      %dma_start3A_127 = arith.constant 0 : i32
      %dma_start3A_128 = tpu.memref_slice %arg6[%add3A_118, %dma_start3A_127] : memref<80x128xi32, #tpu.memory_space<vmem>> -> memref<1x128xi32, #tpu.memory_space<vmem>>
      %dma_start3A_129 = tpu.memref_squeeze %dma_start3A_128 : memref<1x128xi32, #tpu.memory_space<vmem>> -> memref<128xi32, #tpu.memory_space<vmem>>
      %dma_start3A_130 = arith.constant 0 : i32
      %dma_start3A_131 = arith.constant 0 : i32
      %dma_start3A_132 = tpu.memref_slice %arg8[%dma_start3A_130, %dma_start3A_131] : memref<10240x128xf32, #tpu.memory_space<vmem_shared>> -> memref<10240x128xf32, #tpu.memory_space<vmem_shared>>
      tpu.enqueue_indirect_dma source(%arg7 : memref<128x128xf32, #tpu.memory_space<vmem>>) target(%dma_start3A_132 : memref<10240x128xf32, #tpu.memory_space<vmem_shared>>) offsets(%dma_start3A_129 : memref<128xi32, #tpu.memory_space<vmem>>) semaphore(%arg11 : memref<!tpu.dma_semaphore, #tpu.memory_space<semaphore_mem>>) {add = true}
      %add3A_133 = arith.constant 1 : i32
      %add3A_134 = arith.addi %scan3A_73, %add3A_133 : i32
      %mul3A_135 = arith.constant 4 : i32
      %mul3A_136 = arith.muli %add3A_134, %mul3A_135 : i32
      %add3A_137 = arith.constant 3 : i32
      %add3A_138 = arith.addi %mul3A_136, %add3A_137 : i32
      %sub3A_139 = arith.constant 4 : i32
      %sub3A_140 = arith.subi %add3A_138, %sub3A_139 : i32
      %dma_wait3A_141 = arith.constant 0 : i32
      %dma_wait3A_142 = tpu.memref_slice %arg6[%sub3A_140, %dma_wait3A_141] : memref<80x128xi32, #tpu.memory_space<vmem>> -> memref<1x128xi32, #tpu.memory_space<vmem>>
      %dma_wait3A_143 = tpu.memref_squeeze %dma_wait3A_142 : memref<1x128xi32, #tpu.memory_space<vmem>> -> memref<128xi32, #tpu.memory_space<vmem>>
      %dma_wait3A_144 = arith.constant 0 : i32
      %dma_wait3A_145 = arith.constant 0 : i32
      %dma_wait3A_146 = tpu.memref_slice %arg8[%dma_wait3A_144, %dma_wait3A_145] : memref<10240x128xf32, #tpu.memory_space<vmem_shared>> -> memref<10240x128xf32, #tpu.memory_space<vmem_shared>>
      tpu.wait_indirect_dma semaphore(%arg12 : memref<!tpu.dma_semaphore, #tpu.memory_space<semaphore_mem>>) src(%arg7 : memref<128x128xf32, #tpu.memory_space<vmem>>) dst(%dma_wait3A_146 : memref<10240x128xf32, #tpu.memory_space<vmem_shared>>)
      %dma_start3A_147 = arith.constant 0 : i32
      %dma_start3A_148 = tpu.memref_slice %arg6[%add3A_138, %dma_start3A_147] : memref<80x128xi32, #tpu.memory_space<vmem>> -> memref<1x128xi32, #tpu.memory_space<vmem>>
      %dma_start3A_149 = tpu.memref_squeeze %dma_start3A_148 : memref<1x128xi32, #tpu.memory_space<vmem>> -> memref<128xi32, #tpu.memory_space<vmem>>
      %dma_start3A_150 = arith.constant 0 : i32
      %dma_start3A_151 = arith.constant 0 : i32
      %dma_start3A_152 = tpu.memref_slice %arg8[%dma_start3A_150, %dma_start3A_151] : memref<10240x128xf32, #tpu.memory_space<vmem_shared>> -> memref<10240x128xf32, #tpu.memory_space<vmem_shared>>
      tpu.enqueue_indirect_dma source(%arg7 : memref<128x128xf32, #tpu.memory_space<vmem>>) target(%dma_start3A_152 : memref<10240x128xf32, #tpu.memory_space<vmem_shared>>) offsets(%dma_start3A_149 : memref<128xi32, #tpu.memory_space<vmem>>) semaphore(%arg12 : memref<!tpu.dma_semaphore, #tpu.memory_space<semaphore_mem>>) {add = true}
    }
    %scan3A_40 = arith.constant 19 : i32
    %dma_wait3A = arith.constant 76 : i32
    %dma_wait3A_41 = arith.constant 0 : i32
    %dma_wait3A_42 = tpu.memref_slice %arg6[%dma_wait3A, %dma_wait3A_41] : memref<80x128xi32, #tpu.memory_space<vmem>> -> memref<1x128xi32, #tpu.memory_space<vmem>>
    %dma_wait3A_43 = tpu.memref_squeeze %dma_wait3A_42 : memref<1x128xi32, #tpu.memory_space<vmem>> -> memref<128xi32, #tpu.memory_space<vmem>>
    %dma_wait3A_44 = arith.constant 0 : i32
    %dma_wait3A_45 = arith.constant 0 : i32
    %dma_wait3A_46 = tpu.memref_slice %arg8[%dma_wait3A_44, %dma_wait3A_45] : memref<10240x128xf32, #tpu.memory_space<vmem_shared>> -> memref<10240x128xf32, #tpu.memory_space<vmem_shared>>
    tpu.wait_indirect_dma semaphore(%arg9 : memref<!tpu.dma_semaphore, #tpu.memory_space<semaphore_mem>>) src(%arg7 : memref<128x128xf32, #tpu.memory_space<vmem>>) dst(%dma_wait3A_46 : memref<10240x128xf32, #tpu.memory_space<vmem_shared>>)
    %dma_wait3A_47 = arith.constant 77 : i32
    %dma_wait3A_48 = arith.constant 0 : i32
    %dma_wait3A_49 = tpu.memref_slice %arg6[%dma_wait3A_47, %dma_wait3A_48] : memref<80x128xi32, #tpu.memory_space<vmem>> -> memref<1x128xi32, #tpu.memory_space<vmem>>
    %dma_wait3A_50 = tpu.memref_squeeze %dma_wait3A_49 : memref<1x128xi32, #tpu.memory_space<vmem>> -> memref<128xi32, #tpu.memory_space<vmem>>
    %dma_wait3A_51 = arith.constant 0 : i32
    %dma_wait3A_52 = arith.constant 0 : i32
    %dma_wait3A_53 = tpu.memref_slice %arg8[%dma_wait3A_51, %dma_wait3A_52] : memref<10240x128xf32, #tpu.memory_space<vmem_shared>> -> memref<10240x128xf32, #tpu.memory_space<vmem_shared>>
    tpu.wait_indirect_dma semaphore(%arg10 : memref<!tpu.dma_semaphore, #tpu.memory_space<semaphore_mem>>) src(%arg7 : memref<128x128xf32, #tpu.memory_space<vmem>>) dst(%dma_wait3A_53 : memref<10240x128xf32, #tpu.memory_space<vmem_shared>>)
    %dma_wait3A_54 = arith.constant 78 : i32
    %dma_wait3A_55 = arith.constant 0 : i32
    %dma_wait3A_56 = tpu.memref_slice %arg6[%dma_wait3A_54, %dma_wait3A_55] : memref<80x128xi32, #tpu.memory_space<vmem>> -> memref<1x128xi32, #tpu.memory_space<vmem>>
    %dma_wait3A_57 = tpu.memref_squeeze %dma_wait3A_56 : memref<1x128xi32, #tpu.memory_space<vmem>> -> memref<128xi32, #tpu.memory_space<vmem>>
    %dma_wait3A_58 = arith.constant 0 : i32
    %dma_wait3A_59 = arith.constant 0 : i32
    %dma_wait3A_60 = tpu.memref_slice %arg8[%dma_wait3A_58, %dma_wait3A_59] : memref<10240x128xf32, #tpu.memory_space<vmem_shared>> -> memref<10240x128xf32, #tpu.memory_space<vmem_shared>>
    tpu.wait_indirect_dma semaphore(%arg11 : memref<!tpu.dma_semaphore, #tpu.memory_space<semaphore_mem>>) src(%arg7 : memref<128x128xf32, #tpu.memory_space<vmem>>) dst(%dma_wait3A_60 : memref<10240x128xf32, #tpu.memory_space<vmem_shared>>)
    %dma_wait3A_61 = arith.constant 79 : i32
    %dma_wait3A_62 = arith.constant 0 : i32
    %dma_wait3A_63 = tpu.memref_slice %arg6[%dma_wait3A_61, %dma_wait3A_62] : memref<80x128xi32, #tpu.memory_space<vmem>> -> memref<1x128xi32, #tpu.memory_space<vmem>>
    %dma_wait3A_64 = tpu.memref_squeeze %dma_wait3A_63 : memref<1x128xi32, #tpu.memory_space<vmem>> -> memref<128xi32, #tpu.memory_space<vmem>>
    %dma_wait3A_65 = arith.constant 0 : i32
    %dma_wait3A_66 = arith.constant 0 : i32
    %dma_wait3A_67 = tpu.memref_slice %arg8[%dma_wait3A_65, %dma_wait3A_66] : memref<10240x128xf32, #tpu.memory_space<vmem_shared>> -> memref<10240x128xf32, #tpu.memory_space<vmem_shared>>
    tpu.wait_indirect_dma semaphore(%arg12 : memref<!tpu.dma_semaphore, #tpu.memory_space<semaphore_mem>>) src(%arg7 : memref<128x128xf32, #tpu.memory_space<vmem>>) dst(%dma_wait3A_67 : memref<10240x128xf32, #tpu.memory_space<vmem_shared>>)
    %barrier3A_68 = arith.constant 0 : index
    tpu.barrier barrier_id(%barrier3A_68)
    %mul3A_69 = arith.constant 640 : i32
    %mul3A_70 = arith.muli %arg1, %mul3A_69 : i32
    %mul3A_71 = arith.constant 640 : i32
    %mul3A_72 = arith.muli %arg1, %mul3A_71 : i32
    "tpu.region"() ({
      %run_scoped3A = tpu.sem_alloc : memref<!tpu.dma_semaphore, #tpu.memory_space<semaphore_mem>>
      %dma_start3A_73 = arith.constant 0 : i32
      %dma_start3A_74 = tpu.memref_slice %arg5[%arg0, %mul3A_72, %dma_start3A_73] : memref<2x10240x128xf32, #tpu.memory_space<hbm>> -> memref<1x640x128xf32, #tpu.memory_space<hbm>>
      %dma_start3A_75 = tpu.memref_squeeze %dma_start3A_74 : memref<1x640x128xf32, #tpu.memory_space<hbm>> -> memref<640x128xf32, #tpu.memory_space<hbm>>
      %dma_start3A_76 = arith.constant 0 : i32
      %dma_start3A_77 = tpu.memref_slice %arg8[%mul3A_70, %dma_start3A_76] : memref<10240x128xf32, #tpu.memory_space<vmem_shared>> -> memref<640x128xf32, #tpu.memory_space<vmem_shared>>
      tpu.enqueue_dma source(%dma_start3A_77 : memref<640x128xf32, #tpu.memory_space<vmem_shared>>) target(%dma_start3A_75 : memref<640x128xf32, #tpu.memory_space<hbm>>) target_semaphore(%run_scoped3A : memref<!tpu.dma_semaphore, #tpu.memory_space<semaphore_mem>>)
      %dma_wait3A_78 = arith.constant 0 : i32
      %dma_wait3A_79 = tpu.memref_slice %arg5[%arg0, %mul3A_72, %dma_wait3A_78] : memref<2x10240x128xf32, #tpu.memory_space<hbm>> -> memref<1x640x128xf32, #tpu.memory_space<hbm>>
      %dma_wait3A_80 = tpu.memref_squeeze %dma_wait3A_79 : memref<1x640x128xf32, #tpu.memory_space<hbm>> -> memref<640x128xf32, #tpu.memory_space<hbm>>
      %dma_wait3A_81 = arith.constant 0 : i32
      %dma_wait3A_82 = tpu.memref_slice %arg8[%mul3A_70, %dma_wait3A_81] : memref<10240x128xf32, #tpu.memory_space<vmem_shared>> -> memref<640x128xf32, #tpu.memory_space<vmem_shared>>
      tpu.wait_dma2 semaphore(%run_scoped3A : memref<!tpu.dma_semaphore, #tpu.memory_space<semaphore_mem>>) src(%dma_wait3A_82 : memref<640x128xf32, #tpu.memory_space<vmem_shared>>) dst(%dma_wait3A_80 : memref<640x128xf32, #tpu.memory_space<hbm>>)
      tpu.yield
    }) : () -> ()
    return
  }
}

#map = affine_map<(d0, d1) -> (0, 0)>
#map1 = affine_map<(d0, d1) -> (0, 0, 0)>
module attributes {stable_mosaic.version = 14 : i64} {
  func.func @_sc_aggregate(%arg0: i32, %arg1: i32, %arg2: memref<10000x128xf32, #tpu.memory_space<hbm>>, %arg3: memref<2560x128xi32, #tpu.memory_space<hbm>>, %arg4: memref<2560x128xi32, #tpu.memory_space<hbm>>, %arg5: memref<320x128xf32, #tpu.memory_space<hbm>>, %arg6: memref<2x10240x128xf32, #tpu.memory_space<hbm>>, %arg7: memref<40x128xi32, #tpu.memory_space<vmem>>, %arg8: memref<40x128xi32, #tpu.memory_space<vmem>>, %arg9: memref<128x128xf32, #tpu.memory_space<vmem>>, %arg10: memref<128x128xf32, #tpu.memory_space<vmem>>, %arg11: memref<10240x128xf32, #tpu.memory_space<vmem_shared>>, %arg12: memref<!tpu.dma_semaphore, #tpu.memory_space<semaphore_mem>>, %arg13: memref<!tpu.dma_semaphore, #tpu.memory_space<semaphore_mem>>) attributes {dimension_semantics = [#tpu.dimension_semantics<core_parallel>, #tpu.dimension_semantics<subcore_parallel>], iteration_bounds = array<i64: 2, 16>, scalar_prefetch = 0 : i64, scratch_operands = 7 : i64, tpu.core_type = #tpu.core_type<sc_vector_subcore>, window_params = [{transform_indices = #map}, {transform_indices = #map}, {transform_indices = #map}, {transform_indices = #map}, {transform_indices = #map1}]} {
    %mul3A = arith.constant 16 : i32
    %mul3A_0 = arith.muli %arg0, %mul3A : i32
    %add3A = arith.addi %mul3A_0, %arg1 : i32
    %mul3A_1 = arith.constant 80 : i32
    %mul3A_2 = arith.muli %add3A, %mul3A_1 : i32
    %mul3A_3 = arith.constant 640 : i32
    %mul3A_4 = arith.muli %arg1, %mul3A_3 : i32
    "tpu.region"() ({
      %run_scoped3A = tpu.sem_alloc : memref<!tpu.dma_semaphore, #tpu.memory_space<semaphore_mem>>
      %dma_start3A = arith.constant 0 : i32
      %dma_start3A_19 = tpu.memref_slice %arg11[%mul3A_4, %dma_start3A] : memref<10240x128xf32, #tpu.memory_space<vmem_shared>> -> memref<320x128xf32, #tpu.memory_space<vmem_shared>>
      tpu.enqueue_dma source(%arg5 : memref<320x128xf32, #tpu.memory_space<hbm>>) target(%dma_start3A_19 : memref<320x128xf32, #tpu.memory_space<vmem_shared>>) target_semaphore(%run_scoped3A : memref<!tpu.dma_semaphore, #tpu.memory_space<semaphore_mem>>)
      %dma_wait3A = arith.constant 0 : i32
      %dma_wait3A_20 = tpu.memref_slice %arg11[%mul3A_4, %dma_wait3A] : memref<10240x128xf32, #tpu.memory_space<vmem_shared>> -> memref<320x128xf32, #tpu.memory_space<vmem_shared>>
      tpu.wait_dma2 semaphore(%run_scoped3A : memref<!tpu.dma_semaphore, #tpu.memory_space<semaphore_mem>>) src(%arg5 : memref<320x128xf32, #tpu.memory_space<hbm>>) dst(%dma_wait3A_20 : memref<320x128xf32, #tpu.memory_space<vmem_shared>>)
      tpu.yield
    }) : () -> ()
    %mul3A_5 = arith.constant 640 : i32
    %mul3A_6 = arith.muli %arg1, %mul3A_5 : i32
    %add3A_7 = arith.constant 320 : i32
    %add3A_8 = arith.addi %mul3A_6, %add3A_7 : i32
    "tpu.region"() ({
      %run_scoped3A = tpu.sem_alloc : memref<!tpu.dma_semaphore, #tpu.memory_space<semaphore_mem>>
      %dma_start3A = arith.constant 0 : i32
      %dma_start3A_19 = tpu.memref_slice %arg11[%add3A_8, %dma_start3A] : memref<10240x128xf32, #tpu.memory_space<vmem_shared>> -> memref<320x128xf32, #tpu.memory_space<vmem_shared>>
      tpu.enqueue_dma source(%arg5 : memref<320x128xf32, #tpu.memory_space<hbm>>) target(%dma_start3A_19 : memref<320x128xf32, #tpu.memory_space<vmem_shared>>) target_semaphore(%run_scoped3A : memref<!tpu.dma_semaphore, #tpu.memory_space<semaphore_mem>>)
      %dma_wait3A = arith.constant 0 : i32
      %dma_wait3A_20 = tpu.memref_slice %arg11[%add3A_8, %dma_wait3A] : memref<10240x128xf32, #tpu.memory_space<vmem_shared>> -> memref<320x128xf32, #tpu.memory_space<vmem_shared>>
      tpu.wait_dma2 semaphore(%run_scoped3A : memref<!tpu.dma_semaphore, #tpu.memory_space<semaphore_mem>>) src(%arg5 : memref<320x128xf32, #tpu.memory_space<hbm>>) dst(%dma_wait3A_20 : memref<320x128xf32, #tpu.memory_space<vmem_shared>>)
      tpu.yield
    }) : () -> ()
    %barrier3A = arith.constant 0 : index
    tpu.barrier barrier_id(%barrier3A)
    %scan3A = arith.constant 0 : i32
    %scan3A_9 = arith.constant 0 : i32
    %scan3A_10 = arith.constant 2 : i32
    %scan3A_11 = arith.addi %scan3A_9, %scan3A_10 : i32
    %scan3A_12 = arith.constant 1 : i32
    scf.for %scan3A_19 = %scan3A_9 to %scan3A_11 step %scan3A_12  : i32 {
      %mul3A_20 = arith.constant 40 : i32
      %mul3A_21 = arith.muli %scan3A_19, %mul3A_20 : i32
      %add3A_22 = arith.addi %mul3A_2, %mul3A_21 : i32
      "tpu.region"() ({
        %run_scoped3A_56 = tpu.sem_alloc : memref<!tpu.dma_semaphore, #tpu.memory_space<semaphore_mem>>
        %dma_start3A_57 = arith.constant 0 : i32
        %dma_start3A_58 = tpu.memref_slice %arg3[%add3A_22, %dma_start3A_57] : memref<2560x128xi32, #tpu.memory_space<hbm>> -> memref<40x128xi32, #tpu.memory_space<hbm>>
        %dma_start3A_59 = arith.constant 0 : i32
        %dma_start3A_60 = tpu.memref_slice %arg3[%add3A_22, %dma_start3A_59] : memref<2560x128xi32, #tpu.memory_space<hbm>> -> memref<40x128xi32, #tpu.memory_space<hbm>>
        tpu.enqueue_dma source(%dma_start3A_60 : memref<40x128xi32, #tpu.memory_space<hbm>>) target(%arg7 : memref<40x128xi32, #tpu.memory_space<vmem>>) target_semaphore(%run_scoped3A_56 : memref<!tpu.dma_semaphore, #tpu.memory_space<semaphore_mem>>)
        %dma_wait3A_61 = arith.constant 0 : i32
        %dma_wait3A_62 = tpu.memref_slice %arg3[%add3A_22, %dma_wait3A_61] : memref<2560x128xi32, #tpu.memory_space<hbm>> -> memref<40x128xi32, #tpu.memory_space<hbm>>
        %dma_wait3A_63 = arith.constant 0 : i32
        %dma_wait3A_64 = tpu.memref_slice %arg3[%add3A_22, %dma_wait3A_63] : memref<2560x128xi32, #tpu.memory_space<hbm>> -> memref<40x128xi32, #tpu.memory_space<hbm>>
        tpu.wait_dma2 semaphore(%run_scoped3A_56 : memref<!tpu.dma_semaphore, #tpu.memory_space<semaphore_mem>>) src(%dma_wait3A_64 : memref<40x128xi32, #tpu.memory_space<hbm>>) dst(%arg7 : memref<40x128xi32, #tpu.memory_space<vmem>>)
        tpu.yield
      }) : () -> ()
      "tpu.region"() ({
        %run_scoped3A_56 = tpu.sem_alloc : memref<!tpu.dma_semaphore, #tpu.memory_space<semaphore_mem>>
        %dma_start3A_57 = arith.constant 0 : i32
        %dma_start3A_58 = tpu.memref_slice %arg4[%add3A_22, %dma_start3A_57] : memref<2560x128xi32, #tpu.memory_space<hbm>> -> memref<40x128xi32, #tpu.memory_space<hbm>>
        %dma_start3A_59 = arith.constant 0 : i32
        %dma_start3A_60 = tpu.memref_slice %arg4[%add3A_22, %dma_start3A_59] : memref<2560x128xi32, #tpu.memory_space<hbm>> -> memref<40x128xi32, #tpu.memory_space<hbm>>
        tpu.enqueue_dma source(%dma_start3A_60 : memref<40x128xi32, #tpu.memory_space<hbm>>) target(%arg8 : memref<40x128xi32, #tpu.memory_space<vmem>>) target_semaphore(%run_scoped3A_56 : memref<!tpu.dma_semaphore, #tpu.memory_space<semaphore_mem>>)
        %dma_wait3A_61 = arith.constant 0 : i32
        %dma_wait3A_62 = tpu.memref_slice %arg4[%add3A_22, %dma_wait3A_61] : memref<2560x128xi32, #tpu.memory_space<hbm>> -> memref<40x128xi32, #tpu.memory_space<hbm>>
        %dma_wait3A_63 = arith.constant 0 : i32
        %dma_wait3A_64 = tpu.memref_slice %arg4[%add3A_22, %dma_wait3A_63] : memref<2560x128xi32, #tpu.memory_space<hbm>> -> memref<40x128xi32, #tpu.memory_space<hbm>>
        tpu.wait_dma2 semaphore(%run_scoped3A_56 : memref<!tpu.dma_semaphore, #tpu.memory_space<semaphore_mem>>) src(%dma_wait3A_64 : memref<40x128xi32, #tpu.memory_space<hbm>>) dst(%arg8 : memref<40x128xi32, #tpu.memory_space<vmem>>)
        tpu.yield
      }) : () -> ()
      %dma_start3A = arith.constant 0 : i32
      %dma_start3A_23 = arith.constant 0 : i32
      %dma_start3A_24 = tpu.memref_slice %arg7[%dma_start3A, %dma_start3A_23] : memref<40x128xi32, #tpu.memory_space<vmem>> -> memref<1x128xi32, #tpu.memory_space<vmem>>
      %dma_start3A_25 = tpu.memref_squeeze %dma_start3A_24 : memref<1x128xi32, #tpu.memory_space<vmem>> -> memref<128xi32, #tpu.memory_space<vmem>>
      %dma_start3A_26 = arith.constant 0 : i32
      %dma_start3A_27 = arith.constant 0 : i32
      %dma_start3A_28 = tpu.memref_slice %arg2[%dma_start3A_26, %dma_start3A_27] : memref<10000x128xf32, #tpu.memory_space<hbm>> -> memref<10000x128xf32, #tpu.memory_space<hbm>>
      tpu.enqueue_indirect_dma source(%dma_start3A_28 : memref<10000x128xf32, #tpu.memory_space<hbm>>) target(%arg9 : memref<128x128xf32, #tpu.memory_space<vmem>>) offsets(%dma_start3A_25 : memref<128xi32, #tpu.memory_space<vmem>>) semaphore(%arg12 : memref<!tpu.dma_semaphore, #tpu.memory_space<semaphore_mem>>)
      %dma_start3A_29 = arith.constant 1 : i32
      %dma_start3A_30 = arith.constant 0 : i32
      %dma_start3A_31 = tpu.memref_slice %arg7[%dma_start3A_29, %dma_start3A_30] : memref<40x128xi32, #tpu.memory_space<vmem>> -> memref<1x128xi32, #tpu.memory_space<vmem>>
      %dma_start3A_32 = tpu.memref_squeeze %dma_start3A_31 : memref<1x128xi32, #tpu.memory_space<vmem>> -> memref<128xi32, #tpu.memory_space<vmem>>
      %dma_start3A_33 = arith.constant 0 : i32
      %dma_start3A_34 = arith.constant 0 : i32
      %dma_start3A_35 = tpu.memref_slice %arg2[%dma_start3A_33, %dma_start3A_34] : memref<10000x128xf32, #tpu.memory_space<hbm>> -> memref<10000x128xf32, #tpu.memory_space<hbm>>
      tpu.enqueue_indirect_dma source(%dma_start3A_35 : memref<10000x128xf32, #tpu.memory_space<hbm>>) target(%arg10 : memref<128x128xf32, #tpu.memory_space<vmem>>) offsets(%dma_start3A_32 : memref<128xi32, #tpu.memory_space<vmem>>) semaphore(%arg13 : memref<!tpu.dma_semaphore, #tpu.memory_space<semaphore_mem>>)
      %scan3A_36 = arith.constant 0 : i32
      %scan3A_37 = arith.constant 0 : i32
      %scan3A_38 = arith.constant 19 : i32
      %scan3A_39 = arith.addi %scan3A_37, %scan3A_38 : i32
      %scan3A_40 = arith.constant 1 : i32
      scf.for %scan3A_56 = %scan3A_37 to %scan3A_39 step %scan3A_40  : i32 {
        %mul3A_57 = arith.constant 2 : i32
        %mul3A_58 = arith.muli %scan3A_56, %mul3A_57 : i32
        %add3A_59 = arith.constant 0 : i32
        %add3A_60 = arith.addi %mul3A_58, %add3A_59 : i32
        %dma_wait3A_61 = arith.constant 0 : i32
        %dma_wait3A_62 = tpu.memref_slice %arg7[%add3A_60, %dma_wait3A_61] : memref<40x128xi32, #tpu.memory_space<vmem>> -> memref<1x128xi32, #tpu.memory_space<vmem>>
        %dma_wait3A_63 = tpu.memref_squeeze %dma_wait3A_62 : memref<1x128xi32, #tpu.memory_space<vmem>> -> memref<128xi32, #tpu.memory_space<vmem>>
        %dma_wait3A_64 = arith.constant 0 : i32
        %dma_wait3A_65 = arith.constant 0 : i32
        %dma_wait3A_66 = tpu.memref_slice %arg2[%dma_wait3A_64, %dma_wait3A_65] : memref<10000x128xf32, #tpu.memory_space<hbm>> -> memref<10000x128xf32, #tpu.memory_space<hbm>>
        tpu.wait_indirect_dma semaphore(%arg12 : memref<!tpu.dma_semaphore, #tpu.memory_space<semaphore_mem>>) src(%dma_wait3A_66 : memref<10000x128xf32, #tpu.memory_space<hbm>>) dst(%arg9 : memref<128x128xf32, #tpu.memory_space<vmem>>)
        "tpu.region"() ({
          %run_scoped3A_93 = tpu.sem_alloc : memref<!tpu.dma_semaphore, #tpu.memory_space<semaphore_mem>>
          %dma_start3A_94 = arith.constant 0 : i32
          %dma_start3A_95 = tpu.memref_slice %arg8[%add3A_60, %dma_start3A_94] : memref<40x128xi32, #tpu.memory_space<vmem>> -> memref<1x128xi32, #tpu.memory_space<vmem>>
          %dma_start3A_96 = tpu.memref_squeeze %dma_start3A_95 : memref<1x128xi32, #tpu.memory_space<vmem>> -> memref<128xi32, #tpu.memory_space<vmem>>
          %dma_start3A_97 = arith.constant 0 : i32
          %dma_start3A_98 = arith.constant 0 : i32
          %dma_start3A_99 = tpu.memref_slice %arg11[%dma_start3A_97, %dma_start3A_98] : memref<10240x128xf32, #tpu.memory_space<vmem_shared>> -> memref<10240x128xf32, #tpu.memory_space<vmem_shared>>
          tpu.enqueue_indirect_dma source(%arg9 : memref<128x128xf32, #tpu.memory_space<vmem>>) target(%dma_start3A_99 : memref<10240x128xf32, #tpu.memory_space<vmem_shared>>) offsets(%dma_start3A_96 : memref<128xi32, #tpu.memory_space<vmem>>) semaphore(%run_scoped3A_93 : memref<!tpu.dma_semaphore, #tpu.memory_space<semaphore_mem>>) {add = true}
          %dma_wait3A_100 = arith.constant 0 : i32
          %dma_wait3A_101 = tpu.memref_slice %arg8[%add3A_60, %dma_wait3A_100] : memref<40x128xi32, #tpu.memory_space<vmem>> -> memref<1x128xi32, #tpu.memory_space<vmem>>
          %dma_wait3A_102 = tpu.memref_squeeze %dma_wait3A_101 : memref<1x128xi32, #tpu.memory_space<vmem>> -> memref<128xi32, #tpu.memory_space<vmem>>
          %dma_wait3A_103 = arith.constant 0 : i32
          %dma_wait3A_104 = arith.constant 0 : i32
          %dma_wait3A_105 = tpu.memref_slice %arg11[%dma_wait3A_103, %dma_wait3A_104] : memref<10240x128xf32, #tpu.memory_space<vmem_shared>> -> memref<10240x128xf32, #tpu.memory_space<vmem_shared>>
          tpu.wait_indirect_dma semaphore(%run_scoped3A_93 : memref<!tpu.dma_semaphore, #tpu.memory_space<semaphore_mem>>) src(%arg9 : memref<128x128xf32, #tpu.memory_space<vmem>>) dst(%dma_wait3A_105 : memref<10240x128xf32, #tpu.memory_space<vmem_shared>>)
          tpu.yield
        }) : () -> ()
        %add3A_67 = arith.constant 2 : i32
        %add3A_68 = arith.addi %add3A_60, %add3A_67 : i32
        %dma_start3A_69 = arith.constant 0 : i32
        %dma_start3A_70 = tpu.memref_slice %arg7[%add3A_68, %dma_start3A_69] : memref<40x128xi32, #tpu.memory_space<vmem>> -> memref<1x128xi32, #tpu.memory_space<vmem>>
        %dma_start3A_71 = tpu.memref_squeeze %dma_start3A_70 : memref<1x128xi32, #tpu.memory_space<vmem>> -> memref<128xi32, #tpu.memory_space<vmem>>
        %dma_start3A_72 = arith.constant 0 : i32
        %dma_start3A_73 = arith.constant 0 : i32
        %dma_start3A_74 = tpu.memref_slice %arg2[%dma_start3A_72, %dma_start3A_73] : memref<10000x128xf32, #tpu.memory_space<hbm>> -> memref<10000x128xf32, #tpu.memory_space<hbm>>
        tpu.enqueue_indirect_dma source(%dma_start3A_74 : memref<10000x128xf32, #tpu.memory_space<hbm>>) target(%arg9 : memref<128x128xf32, #tpu.memory_space<vmem>>) offsets(%dma_start3A_71 : memref<128xi32, #tpu.memory_space<vmem>>) semaphore(%arg12 : memref<!tpu.dma_semaphore, #tpu.memory_space<semaphore_mem>>)
        %mul3A_75 = arith.constant 2 : i32
        %mul3A_76 = arith.muli %scan3A_56, %mul3A_75 : i32
        %add3A_77 = arith.constant 1 : i32
        %add3A_78 = arith.addi %mul3A_76, %add3A_77 : i32
        %dma_wait3A_79 = arith.constant 0 : i32
        %dma_wait3A_80 = tpu.memref_slice %arg7[%add3A_78, %dma_wait3A_79] : memref<40x128xi32, #tpu.memory_space<vmem>> -> memref<1x128xi32, #tpu.memory_space<vmem>>
        %dma_wait3A_81 = tpu.memref_squeeze %dma_wait3A_80 : memref<1x128xi32, #tpu.memory_space<vmem>> -> memref<128xi32, #tpu.memory_space<vmem>>
        %dma_wait3A_82 = arith.constant 0 : i32
        %dma_wait3A_83 = arith.constant 0 : i32
        %dma_wait3A_84 = tpu.memref_slice %arg2[%dma_wait3A_82, %dma_wait3A_83] : memref<10000x128xf32, #tpu.memory_space<hbm>> -> memref<10000x128xf32, #tpu.memory_space<hbm>>
        tpu.wait_indirect_dma semaphore(%arg13 : memref<!tpu.dma_semaphore, #tpu.memory_space<semaphore_mem>>) src(%dma_wait3A_84 : memref<10000x128xf32, #tpu.memory_space<hbm>>) dst(%arg10 : memref<128x128xf32, #tpu.memory_space<vmem>>)
        "tpu.region"() ({
          %run_scoped3A_93 = tpu.sem_alloc : memref<!tpu.dma_semaphore, #tpu.memory_space<semaphore_mem>>
          %dma_start3A_94 = arith.constant 0 : i32
          %dma_start3A_95 = tpu.memref_slice %arg8[%add3A_78, %dma_start3A_94] : memref<40x128xi32, #tpu.memory_space<vmem>> -> memref<1x128xi32, #tpu.memory_space<vmem>>
          %dma_start3A_96 = tpu.memref_squeeze %dma_start3A_95 : memref<1x128xi32, #tpu.memory_space<vmem>> -> memref<128xi32, #tpu.memory_space<vmem>>
          %dma_start3A_97 = arith.constant 0 : i32
          %dma_start3A_98 = arith.constant 0 : i32
          %dma_start3A_99 = tpu.memref_slice %arg11[%dma_start3A_97, %dma_start3A_98] : memref<10240x128xf32, #tpu.memory_space<vmem_shared>> -> memref<10240x128xf32, #tpu.memory_space<vmem_shared>>
          tpu.enqueue_indirect_dma source(%arg10 : memref<128x128xf32, #tpu.memory_space<vmem>>) target(%dma_start3A_99 : memref<10240x128xf32, #tpu.memory_space<vmem_shared>>) offsets(%dma_start3A_96 : memref<128xi32, #tpu.memory_space<vmem>>) semaphore(%run_scoped3A_93 : memref<!tpu.dma_semaphore, #tpu.memory_space<semaphore_mem>>) {add = true}
          %dma_wait3A_100 = arith.constant 0 : i32
          %dma_wait3A_101 = tpu.memref_slice %arg8[%add3A_78, %dma_wait3A_100] : memref<40x128xi32, #tpu.memory_space<vmem>> -> memref<1x128xi32, #tpu.memory_space<vmem>>
          %dma_wait3A_102 = tpu.memref_squeeze %dma_wait3A_101 : memref<1x128xi32, #tpu.memory_space<vmem>> -> memref<128xi32, #tpu.memory_space<vmem>>
          %dma_wait3A_103 = arith.constant 0 : i32
          %dma_wait3A_104 = arith.constant 0 : i32
          %dma_wait3A_105 = tpu.memref_slice %arg11[%dma_wait3A_103, %dma_wait3A_104] : memref<10240x128xf32, #tpu.memory_space<vmem_shared>> -> memref<10240x128xf32, #tpu.memory_space<vmem_shared>>
          tpu.wait_indirect_dma semaphore(%run_scoped3A_93 : memref<!tpu.dma_semaphore, #tpu.memory_space<semaphore_mem>>) src(%arg10 : memref<128x128xf32, #tpu.memory_space<vmem>>) dst(%dma_wait3A_105 : memref<10240x128xf32, #tpu.memory_space<vmem_shared>>)
          tpu.yield
        }) : () -> ()
        %add3A_85 = arith.constant 2 : i32
        %add3A_86 = arith.addi %add3A_78, %add3A_85 : i32
        %dma_start3A_87 = arith.constant 0 : i32
        %dma_start3A_88 = tpu.memref_slice %arg7[%add3A_86, %dma_start3A_87] : memref<40x128xi32, #tpu.memory_space<vmem>> -> memref<1x128xi32, #tpu.memory_space<vmem>>
        %dma_start3A_89 = tpu.memref_squeeze %dma_start3A_88 : memref<1x128xi32, #tpu.memory_space<vmem>> -> memref<128xi32, #tpu.memory_space<vmem>>
        %dma_start3A_90 = arith.constant 0 : i32
        %dma_start3A_91 = arith.constant 0 : i32
        %dma_start3A_92 = tpu.memref_slice %arg2[%dma_start3A_90, %dma_start3A_91] : memref<10000x128xf32, #tpu.memory_space<hbm>> -> memref<10000x128xf32, #tpu.memory_space<hbm>>
        tpu.enqueue_indirect_dma source(%dma_start3A_92 : memref<10000x128xf32, #tpu.memory_space<hbm>>) target(%arg10 : memref<128x128xf32, #tpu.memory_space<vmem>>) offsets(%dma_start3A_89 : memref<128xi32, #tpu.memory_space<vmem>>) semaphore(%arg13 : memref<!tpu.dma_semaphore, #tpu.memory_space<semaphore_mem>>)
      }
      %scan3A_41 = arith.constant 19 : i32
      %dma_wait3A = arith.constant 38 : i32
      %dma_wait3A_42 = arith.constant 0 : i32
      %dma_wait3A_43 = tpu.memref_slice %arg7[%dma_wait3A, %dma_wait3A_42] : memref<40x128xi32, #tpu.memory_space<vmem>> -> memref<1x128xi32, #tpu.memory_space<vmem>>
      %dma_wait3A_44 = tpu.memref_squeeze %dma_wait3A_43 : memref<1x128xi32, #tpu.memory_space<vmem>> -> memref<128xi32, #tpu.memory_space<vmem>>
      %dma_wait3A_45 = arith.constant 0 : i32
      %dma_wait3A_46 = arith.constant 0 : i32
      %dma_wait3A_47 = tpu.memref_slice %arg2[%dma_wait3A_45, %dma_wait3A_46] : memref<10000x128xf32, #tpu.memory_space<hbm>> -> memref<10000x128xf32, #tpu.memory_space<hbm>>
      tpu.wait_indirect_dma semaphore(%arg12 : memref<!tpu.dma_semaphore, #tpu.memory_space<semaphore_mem>>) src(%dma_wait3A_47 : memref<10000x128xf32, #tpu.memory_space<hbm>>) dst(%arg9 : memref<128x128xf32, #tpu.memory_space<vmem>>)
      %run_scoped3A = arith.constant 38 : i32
      "tpu.region"() ({
        %run_scoped3A_56 = tpu.sem_alloc : memref<!tpu.dma_semaphore, #tpu.memory_space<semaphore_mem>>
        %dma_start3A_57 = arith.constant 0 : i32
        %dma_start3A_58 = tpu.memref_slice %arg8[%run_scoped3A, %dma_start3A_57] : memref<40x128xi32, #tpu.memory_space<vmem>> -> memref<1x128xi32, #tpu.memory_space<vmem>>
        %dma_start3A_59 = tpu.memref_squeeze %dma_start3A_58 : memref<1x128xi32, #tpu.memory_space<vmem>> -> memref<128xi32, #tpu.memory_space<vmem>>
        %dma_start3A_60 = arith.constant 0 : i32
        %dma_start3A_61 = arith.constant 0 : i32
        %dma_start3A_62 = tpu.memref_slice %arg11[%dma_start3A_60, %dma_start3A_61] : memref<10240x128xf32, #tpu.memory_space<vmem_shared>> -> memref<10240x128xf32, #tpu.memory_space<vmem_shared>>
        tpu.enqueue_indirect_dma source(%arg9 : memref<128x128xf32, #tpu.memory_space<vmem>>) target(%dma_start3A_62 : memref<10240x128xf32, #tpu.memory_space<vmem_shared>>) offsets(%dma_start3A_59 : memref<128xi32, #tpu.memory_space<vmem>>) semaphore(%run_scoped3A_56 : memref<!tpu.dma_semaphore, #tpu.memory_space<semaphore_mem>>) {add = true}
        %dma_wait3A_63 = arith.constant 0 : i32
        %dma_wait3A_64 = tpu.memref_slice %arg8[%run_scoped3A, %dma_wait3A_63] : memref<40x128xi32, #tpu.memory_space<vmem>> -> memref<1x128xi32, #tpu.memory_space<vmem>>
        %dma_wait3A_65 = tpu.memref_squeeze %dma_wait3A_64 : memref<1x128xi32, #tpu.memory_space<vmem>> -> memref<128xi32, #tpu.memory_space<vmem>>
        %dma_wait3A_66 = arith.constant 0 : i32
        %dma_wait3A_67 = arith.constant 0 : i32
        %dma_wait3A_68 = tpu.memref_slice %arg11[%dma_wait3A_66, %dma_wait3A_67] : memref<10240x128xf32, #tpu.memory_space<vmem_shared>> -> memref<10240x128xf32, #tpu.memory_space<vmem_shared>>
        tpu.wait_indirect_dma semaphore(%run_scoped3A_56 : memref<!tpu.dma_semaphore, #tpu.memory_space<semaphore_mem>>) src(%arg9 : memref<128x128xf32, #tpu.memory_space<vmem>>) dst(%dma_wait3A_68 : memref<10240x128xf32, #tpu.memory_space<vmem_shared>>)
        tpu.yield
      }) : () -> ()
      %dma_wait3A_48 = arith.constant 39 : i32
      %dma_wait3A_49 = arith.constant 0 : i32
      %dma_wait3A_50 = tpu.memref_slice %arg7[%dma_wait3A_48, %dma_wait3A_49] : memref<40x128xi32, #tpu.memory_space<vmem>> -> memref<1x128xi32, #tpu.memory_space<vmem>>
      %dma_wait3A_51 = tpu.memref_squeeze %dma_wait3A_50 : memref<1x128xi32, #tpu.memory_space<vmem>> -> memref<128xi32, #tpu.memory_space<vmem>>
      %dma_wait3A_52 = arith.constant 0 : i32
      %dma_wait3A_53 = arith.constant 0 : i32
      %dma_wait3A_54 = tpu.memref_slice %arg2[%dma_wait3A_52, %dma_wait3A_53] : memref<10000x128xf32, #tpu.memory_space<hbm>> -> memref<10000x128xf32, #tpu.memory_space<hbm>>
      tpu.wait_indirect_dma semaphore(%arg13 : memref<!tpu.dma_semaphore, #tpu.memory_space<semaphore_mem>>) src(%dma_wait3A_54 : memref<10000x128xf32, #tpu.memory_space<hbm>>) dst(%arg10 : memref<128x128xf32, #tpu.memory_space<vmem>>)
      %run_scoped3A_55 = arith.constant 39 : i32
      "tpu.region"() ({
        %run_scoped3A_56 = tpu.sem_alloc : memref<!tpu.dma_semaphore, #tpu.memory_space<semaphore_mem>>
        %dma_start3A_57 = arith.constant 0 : i32
        %dma_start3A_58 = tpu.memref_slice %arg8[%run_scoped3A_55, %dma_start3A_57] : memref<40x128xi32, #tpu.memory_space<vmem>> -> memref<1x128xi32, #tpu.memory_space<vmem>>
        %dma_start3A_59 = tpu.memref_squeeze %dma_start3A_58 : memref<1x128xi32, #tpu.memory_space<vmem>> -> memref<128xi32, #tpu.memory_space<vmem>>
        %dma_start3A_60 = arith.constant 0 : i32
        %dma_start3A_61 = arith.constant 0 : i32
        %dma_start3A_62 = tpu.memref_slice %arg11[%dma_start3A_60, %dma_start3A_61] : memref<10240x128xf32, #tpu.memory_space<vmem_shared>> -> memref<10240x128xf32, #tpu.memory_space<vmem_shared>>
        tpu.enqueue_indirect_dma source(%arg10 : memref<128x128xf32, #tpu.memory_space<vmem>>) target(%dma_start3A_62 : memref<10240x128xf32, #tpu.memory_space<vmem_shared>>) offsets(%dma_start3A_59 : memref<128xi32, #tpu.memory_space<vmem>>) semaphore(%run_scoped3A_56 : memref<!tpu.dma_semaphore, #tpu.memory_space<semaphore_mem>>) {add = true}
        %dma_wait3A_63 = arith.constant 0 : i32
        %dma_wait3A_64 = tpu.memref_slice %arg8[%run_scoped3A_55, %dma_wait3A_63] : memref<40x128xi32, #tpu.memory_space<vmem>> -> memref<1x128xi32, #tpu.memory_space<vmem>>
        %dma_wait3A_65 = tpu.memref_squeeze %dma_wait3A_64 : memref<1x128xi32, #tpu.memory_space<vmem>> -> memref<128xi32, #tpu.memory_space<vmem>>
        %dma_wait3A_66 = arith.constant 0 : i32
        %dma_wait3A_67 = arith.constant 0 : i32
        %dma_wait3A_68 = tpu.memref_slice %arg11[%dma_wait3A_66, %dma_wait3A_67] : memref<10240x128xf32, #tpu.memory_space<vmem_shared>> -> memref<10240x128xf32, #tpu.memory_space<vmem_shared>>
        tpu.wait_indirect_dma semaphore(%run_scoped3A_56 : memref<!tpu.dma_semaphore, #tpu.memory_space<semaphore_mem>>) src(%arg10 : memref<128x128xf32, #tpu.memory_space<vmem>>) dst(%dma_wait3A_68 : memref<10240x128xf32, #tpu.memory_space<vmem_shared>>)
        tpu.yield
      }) : () -> ()
    }
    %scan3A_13 = arith.constant 2 : i32
    %barrier3A_14 = arith.constant 0 : index
    tpu.barrier barrier_id(%barrier3A_14)
    %mul3A_15 = arith.constant 640 : i32
    %mul3A_16 = arith.muli %arg1, %mul3A_15 : i32
    %mul3A_17 = arith.constant 640 : i32
    %mul3A_18 = arith.muli %arg1, %mul3A_17 : i32
    "tpu.region"() ({
      %run_scoped3A = tpu.sem_alloc : memref<!tpu.dma_semaphore, #tpu.memory_space<semaphore_mem>>
      %dma_start3A = arith.constant 0 : i32
      %dma_start3A_19 = tpu.memref_slice %arg6[%arg0, %mul3A_18, %dma_start3A] : memref<2x10240x128xf32, #tpu.memory_space<hbm>> -> memref<1x640x128xf32, #tpu.memory_space<hbm>>
      %dma_start3A_20 = tpu.memref_squeeze %dma_start3A_19 : memref<1x640x128xf32, #tpu.memory_space<hbm>> -> memref<640x128xf32, #tpu.memory_space<hbm>>
      %dma_start3A_21 = arith.constant 0 : i32
      %dma_start3A_22 = tpu.memref_slice %arg11[%mul3A_16, %dma_start3A_21] : memref<10240x128xf32, #tpu.memory_space<vmem_shared>> -> memref<640x128xf32, #tpu.memory_space<vmem_shared>>
      tpu.enqueue_dma source(%dma_start3A_22 : memref<640x128xf32, #tpu.memory_space<vmem_shared>>) target(%dma_start3A_20 : memref<640x128xf32, #tpu.memory_space<hbm>>) target_semaphore(%run_scoped3A : memref<!tpu.dma_semaphore, #tpu.memory_space<semaphore_mem>>)
      %dma_wait3A = arith.constant 0 : i32
      %dma_wait3A_23 = tpu.memref_slice %arg6[%arg0, %mul3A_18, %dma_wait3A] : memref<2x10240x128xf32, #tpu.memory_space<hbm>> -> memref<1x640x128xf32, #tpu.memory_space<hbm>>
      %dma_wait3A_24 = tpu.memref_squeeze %dma_wait3A_23 : memref<1x640x128xf32, #tpu.memory_space<hbm>> -> memref<640x128xf32, #tpu.memory_space<hbm>>
      %dma_wait3A_25 = arith.constant 0 : i32
      %dma_wait3A_26 = tpu.memref_slice %arg11[%mul3A_16, %dma_wait3A_25] : memref<10240x128xf32, #tpu.memory_space<vmem_shared>> -> memref<640x128xf32, #tpu.memory_space<vmem_shared>>
      tpu.wait_dma2 semaphore(%run_scoped3A : memref<!tpu.dma_semaphore, #tpu.memory_space<semaphore_mem>>) src(%dma_wait3A_26 : memref<640x128xf32, #tpu.memory_space<vmem_shared>>) dst(%dma_wait3A_24 : memref<640x128xf32, #tpu.memory_space<hbm>>)
      tpu.yield
    }) : () -> ()
    return
  }
}

module attributes {stable_mosaic.version = 14 : i64} {
  func.func @_lin_body(%arg0: i32, %arg1: memref<2000x128xf32, #tpu.memory_space<vmem>>, %arg2: memref<128x128xf32, #tpu.memory_space<vmem>>, %arg3: memref<2x2000x128xf32, #tpu.memory_space<vmem>>, %arg4: memref<2000x128xf32, #tpu.memory_space<vmem>>, %arg5: memref<2000x128xf32, #tpu.memory_space<vmem>>, %arg6: memref<2000x1xf32, #tpu.memory_space<vmem>>) attributes {dimension_semantics = [#tpu.dimension_semantics<arbitrary>], iteration_bounds = array<i64: 5>, scalar_prefetch = 0 : i64, scratch_operands = 0 : i64, tpu.core_type = #tpu.core_type<tc>, window_params = [{transform_indices = @transform_0, window_bounds = array<i64: 2000, 128>}, {pipeline_mode = #tpu.pipeline_mode<synchronous>, transform_indices = @transform_1, window_bounds = array<i64: 128, 128>}, {transform_indices = @transform_2, window_bounds = array<i64: 2, 2000, 128>}, {transform_indices = @transform_3, window_bounds = array<i64: 2000, 128>}, {transform_indices = @transform_4, window_bounds = array<i64: 2000, 128>}, {transform_indices = @transform_5, window_bounds = array<i64: 2000, 1>}]} {
    %get3A = arith.constant 0 : index
    %get3A_0 = arith.constant 0 : index
    %get3A_1 = arith.constant 0 : index
    %get3A_2 = vector.load %arg3[%get3A, %get3A_0, %get3A_1] : memref<2x2000x128xf32, #tpu.memory_space<vmem>>, vector<2x2000x128xf32>
    %reduce_sum3A = arith.constant dense<0.000000e+00> : vector<2000xf32>
    %reduce_sum3A_3 = vector.multi_reduction <add>, %get3A_2, %reduce_sum3A [0, 2] : vector<2x2000x128xf32> to vector<2000xf32>
    %mul3A = arith.constant 7.812500e-03 : f32
    %mul3A_4 = vector.broadcast %mul3A : f32 to vector<2000xf32>
    %mul3A_5 = arith.mulf %reduce_sum3A_3, %mul3A_4 : vector<2000xf32>
    %add3A = arith.constant 1.000000e+00 : f32
    %add3A_6 = vector.broadcast %add3A : f32 to vector<2000xf32>
    %add3A_7 = arith.addf %mul3A_5, %add3A_6 : vector<2000xf32>
    %rsqrt3A = math.rsqrt %add3A_7 : vector<2000xf32>
    %broadcast_in_dim3A = vector.shape_cast %rsqrt3A : vector<2000xf32> to vector<2000x1xf32>
    %swap3A = arith.constant 0 : index
    %swap3A_8 = arith.constant 0 : index
    %swap3A_9 = vector.load %arg6[%swap3A, %swap3A_8] : memref<2000x1xf32, #tpu.memory_space<vmem>>, vector<2000x1xf32>
    tpu.vector_store %arg6[%swap3A, %swap3A_8], %broadcast_in_dim3A {strides = array<i32>} : memref<2000x1xf32, #tpu.memory_space<vmem>>, vector<2000x1xf32>,
    %get3A_10 = arith.constant 0 : index
    %get3A_11 = arith.constant 0 : index
    %get3A_12 = vector.load %arg1[%get3A_10, %get3A_11] : memref<2000x128xf32, #tpu.memory_space<vmem>>, vector<2000x128xf32>
    %get3A_13 = arith.constant 0 : index
    %get3A_14 = arith.constant 0 : index
    %get3A_15 = vector.load %arg2[%get3A_13, %get3A_14] : memref<128x128xf32, #tpu.memory_space<vmem>>, vector<128x128xf32>
    %dot_general3A = arith.constant dense<0.000000e+00> : vector<2000x128xf32>
    %dot_general3A_16 = tpu.matmul %get3A_12, %get3A_15, %dot_general3A {dimension_numbers = #tpu.dot_dimension_numbers<[1], [0], [0], [1], [0, 0, 1, 1], [], []>, transpose_lhs_hint = false} : vector<2000x128xf32>, vector<128x128xf32>, vector<2000x128xf32> -> vector<2000x128xf32>
    %swap3A_17 = arith.constant 0 : index
    %swap3A_18 = arith.constant 0 : index
    %swap3A_19 = vector.load %arg4[%swap3A_17, %swap3A_18] : memref<2000x128xf32, #tpu.memory_space<vmem>>, vector<2000x128xf32>
    tpu.vector_store %arg4[%swap3A_17, %swap3A_18], %dot_general3A_16 {strides = array<i32>} : memref<2000x128xf32, #tpu.memory_space<vmem>>, vector<2000x128xf32>,
    %mul3A_20 = vector.broadcast %broadcast_in_dim3A : vector<2000x1xf32> to vector<2000x128xf32>
    %mul3A_21 = arith.mulf %dot_general3A_16, %mul3A_20 : vector<2000x128xf32>
    %swap3A_22 = arith.constant 0 : index
    %swap3A_23 = arith.constant 0 : index
    %swap3A_24 = vector.load %arg5[%swap3A_22, %swap3A_23] : memref<2000x128xf32, #tpu.memory_space<vmem>>, vector<2000x128xf32>
    tpu.vector_store %arg5[%swap3A_22, %swap3A_23], %mul3A_21 {strides = array<i32>} : memref<2000x128xf32, #tpu.memory_space<vmem>>, vector<2000x128xf32>,
    return
  }
  func.func @transform_0(%arg0: i32) -> (i32, i32) {
    %c0_i32 = arith.constant 0 : i32
    %c0_i32_0 = arith.constant 0 : i32
    return %arg0, %c0_i32 : i32, i32
  }
  func.func @transform_1(%arg0: i32) -> (i32, i32) {
    %c0_i32 = arith.constant 0 : i32
    %c0_i32_0 = arith.constant 0 : i32
    %c0_i32_1 = arith.constant 0 : i32
    return %c0_i32, %c0_i32_0 : i32, i32
  }
  func.func @transform_2(%arg0: i32) -> (i32, i32, i32) {
    %c0_i32 = arith.constant 0 : i32
    %c0_i32_0 = arith.constant 0 : i32
    %c0_i32_1 = arith.constant 0 : i32
    return %c0_i32, %arg0, %c0_i32_0 : i32, i32, i32
  }
  func.func @transform_3(%arg0: i32) -> (i32, i32) {
    %c0_i32 = arith.constant 0 : i32
    %c0_i32_0 = arith.constant 0 : i32
    return %arg0, %c0_i32 : i32, i32
  }
  func.func @transform_4(%arg0: i32) -> (i32, i32) {
    %c0_i32 = arith.constant 0 : i32
    %c0_i32_0 = arith.constant 0 : i32
    return %arg0, %c0_i32 : i32, i32
  }
  func.func @transform_5(%arg0: i32) -> (i32, i32) {
    %c0_i32 = arith.constant 0 : i32
    %c0_i32_0 = arith.constant 0 : i32
    return %arg0, %c0_i32 : i32, i32
  }
}

module attributes {stable_mosaic.version = 14 : i64} {
  func.func @_mid_body(%arg0: i32, %arg1: memref<2x2000x128xf32, #tpu.memory_space<vmem>>, %arg2: memref<2000x128xf32, #tpu.memory_space<vmem>>, %arg3: memref<2000x1xf32, #tpu.memory_space<vmem>>, %arg4: memref<128x128xf32, #tpu.memory_space<vmem>>, %arg5: memref<2000x128xf32, #tpu.memory_space<vmem>>, %arg6: memref<2000x128xf32, #tpu.memory_space<vmem>>) attributes {dimension_semantics = [#tpu.dimension_semantics<arbitrary>], iteration_bounds = array<i64: 5>, scalar_prefetch = 0 : i64, scratch_operands = 0 : i64, tpu.core_type = #tpu.core_type<tc>, window_params = [{transform_indices = @transform_0, window_bounds = array<i64: 2, 2000, 128>}, {transform_indices = @transform_1, window_bounds = array<i64: 2000, 128>}, {transform_indices = @transform_2, window_bounds = array<i64: 2000, 1>}, {pipeline_mode = #tpu.pipeline_mode<synchronous>, transform_indices = @transform_3, window_bounds = array<i64: 128, 128>}, {transform_indices = @transform_4, window_bounds = array<i64: 2000, 128>}, {transform_indices = @transform_5, window_bounds = array<i64: 2000, 128>}]} {
    %get3A = arith.constant 0 : index
    %get3A_0 = arith.constant 0 : index
    %get3A_1 = vector.load %arg3[%get3A, %get3A_0] : memref<2000x1xf32, #tpu.memory_space<vmem>>, vector<2000x1xf32>
    %get3A_2 = arith.constant 0 : index
    %get3A_3 = arith.constant 0 : index
    %get3A_4 = arith.constant 0 : index
    %get3A_5 = vector.load %arg1[%get3A_2, %get3A_3, %get3A_4] : memref<2x2000x128xf32, #tpu.memory_space<vmem>>, vector<1x2000x128xf32>
    %get3A_6 = vector.shape_cast %get3A_5 : vector<1x2000x128xf32> to vector<2000x128xf32>
    %get3A_7 = arith.constant 1 : index
    %get3A_8 = arith.constant 0 : index
    %get3A_9 = arith.constant 0 : index
    %get3A_10 = vector.load %arg1[%get3A_7, %get3A_8, %get3A_9] : memref<2x2000x128xf32, #tpu.memory_space<vmem>>, vector<1x2000x128xf32>
    %get3A_11 = vector.shape_cast %get3A_10 : vector<1x2000x128xf32> to vector<2000x128xf32>
    %add3A = arith.addf %get3A_6, %get3A_11 : vector<2000x128xf32>
    %mul3A = vector.broadcast %get3A_1 : vector<2000x1xf32> to vector<2000x128xf32>
    %mul3A_12 = arith.mulf %mul3A, %add3A : vector<2000x128xf32>
    %mul3A_13 = arith.mulf %get3A_1, %get3A_1 : vector<2000x1xf32>
    %get3A_14 = arith.constant 0 : index
    %get3A_15 = arith.constant 0 : index
    %get3A_16 = vector.load %arg2[%get3A_14, %get3A_15] : memref<2000x128xf32, #tpu.memory_space<vmem>>, vector<2000x128xf32>
    %mul3A_17 = vector.broadcast %mul3A_13 : vector<2000x1xf32> to vector<2000x128xf32>
    %mul3A_18 = arith.mulf %mul3A_17, %get3A_16 : vector<2000x128xf32>
    %add3A_19 = arith.addf %mul3A_12, %mul3A_18 : vector<2000x128xf32>
    %max3A = arith.constant 0.000000e+00 : f32
    %max3A_20 = vector.broadcast %max3A : f32 to vector<2000x128xf32>
    %max3A_21 = arith.maximumf %add3A_19, %max3A_20 : vector<2000x128xf32>
    %get3A_22 = arith.constant 0 : index
    %get3A_23 = arith.constant 0 : index
    %get3A_24 = vector.load %arg4[%get3A_22, %get3A_23] : memref<128x128xf32, #tpu.memory_space<vmem>>, vector<128x128xf32>
    %dot_general3A = arith.constant dense<0.000000e+00> : vector<2000x128xf32>
    %dot_general3A_25 = tpu.matmul %max3A_21, %get3A_24, %dot_general3A {dimension_numbers = #tpu.dot_dimension_numbers<[1], [0], [0], [1], [0, 0, 1, 1], [], []>, transpose_lhs_hint = false} : vector<2000x128xf32>, vector<128x128xf32>, vector<2000x128xf32> -> vector<2000x128xf32>
    %swap3A = arith.constant 0 : index
    %swap3A_26 = arith.constant 0 : index
    %swap3A_27 = vector.load %arg5[%swap3A, %swap3A_26] : memref<2000x128xf32, #tpu.memory_space<vmem>>, vector<2000x128xf32>
    tpu.vector_store %arg5[%swap3A, %swap3A_26], %dot_general3A_25 {strides = array<i32>} : memref<2000x128xf32, #tpu.memory_space<vmem>>, vector<2000x128xf32>,
    %mul3A_28 = vector.broadcast %get3A_1 : vector<2000x1xf32> to vector<2000x128xf32>
    %mul3A_29 = arith.mulf %mul3A_28, %dot_general3A_25 : vector<2000x128xf32>
    %swap3A_30 = arith.constant 0 : index
    %swap3A_31 = arith.constant 0 : index
    %swap3A_32 = vector.load %arg6[%swap3A_30, %swap3A_31] : memref<2000x128xf32, #tpu.memory_space<vmem>>, vector<2000x128xf32>
    tpu.vector_store %arg6[%swap3A_30, %swap3A_31], %mul3A_29 {strides = array<i32>} : memref<2000x128xf32, #tpu.memory_space<vmem>>, vector<2000x128xf32>,
    return
  }
  func.func @transform_0(%arg0: i32) -> (i32, i32, i32) {
    %c0_i32 = arith.constant 0 : i32
    %c0_i32_0 = arith.constant 0 : i32
    %c0_i32_1 = arith.constant 0 : i32
    return %c0_i32, %arg0, %c0_i32_0 : i32, i32, i32
  }
  func.func @transform_1(%arg0: i32) -> (i32, i32) {
    %c0_i32 = arith.constant 0 : i32
    %c0_i32_0 = arith.constant 0 : i32
    return %arg0, %c0_i32 : i32, i32
  }
  func.func @transform_2(%arg0: i32) -> (i32, i32) {
    %c0_i32 = arith.constant 0 : i32
    %c0_i32_0 = arith.constant 0 : i32
    return %arg0, %c0_i32 : i32, i32
  }
  func.func @transform_3(%arg0: i32) -> (i32, i32) {
    %c0_i32 = arith.constant 0 : i32
    %c0_i32_0 = arith.constant 0 : i32
    %c0_i32_1 = arith.constant 0 : i32
    return %c0_i32, %c0_i32_0 : i32, i32
  }
  func.func @transform_4(%arg0: i32) -> (i32, i32) {
    %c0_i32 = arith.constant 0 : i32
    %c0_i32_0 = arith.constant 0 : i32
    return %arg0, %c0_i32 : i32, i32
  }
  func.func @transform_5(%arg0: i32) -> (i32, i32) {
    %c0_i32 = arith.constant 0 : i32
    %c0_i32_0 = arith.constant 0 : i32
    return %arg0, %c0_i32 : i32, i32
  }
}

module attributes {stable_mosaic.version = 14 : i64} {
  func.func @_out_body(%arg0: i32, %arg1: memref<2x2000x128xf32, #tpu.memory_space<vmem>>, %arg2: memref<2000x128xf32, #tpu.memory_space<vmem>>, %arg3: memref<2000x1xf32, #tpu.memory_space<vmem>>, %arg4: memref<1x128xf32, #tpu.memory_space<vmem>>, %arg5: memref<2000x128xf32, #tpu.memory_space<vmem>>) attributes {dimension_semantics = [#tpu.dimension_semantics<arbitrary>], iteration_bounds = array<i64: 5>, scalar_prefetch = 0 : i64, scratch_operands = 0 : i64, tpu.core_type = #tpu.core_type<tc>, window_params = [{transform_indices = @transform_0, window_bounds = array<i64: 2, 2000, 128>}, {transform_indices = @transform_1, window_bounds = array<i64: 2000, 128>}, {transform_indices = @transform_2, window_bounds = array<i64: 2000, 1>}, {pipeline_mode = #tpu.pipeline_mode<synchronous>, transform_indices = @transform_3, window_bounds = array<i64: 1, 128>}, {transform_indices = @transform_4, window_bounds = array<i64: 2000, 128>}]} {
    %get3A = arith.constant 0 : index
    %get3A_0 = arith.constant 0 : index
    %get3A_1 = vector.load %arg3[%get3A, %get3A_0] : memref<2000x1xf32, #tpu.memory_space<vmem>>, vector<2000x1xf32>
    %get3A_2 = arith.constant 0 : index
    %get3A_3 = arith.constant 0 : index
    %get3A_4 = arith.constant 0 : index
    %get3A_5 = vector.load %arg1[%get3A_2, %get3A_3, %get3A_4] : memref<2x2000x128xf32, #tpu.memory_space<vmem>>, vector<1x2000x128xf32>
    %get3A_6 = vector.shape_cast %get3A_5 : vector<1x2000x128xf32> to vector<2000x128xf32>
    %get3A_7 = arith.constant 1 : index
    %get3A_8 = arith.constant 0 : index
    %get3A_9 = arith.constant 0 : index
    %get3A_10 = vector.load %arg1[%get3A_7, %get3A_8, %get3A_9] : memref<2x2000x128xf32, #tpu.memory_space<vmem>>, vector<1x2000x128xf32>
    %get3A_11 = vector.shape_cast %get3A_10 : vector<1x2000x128xf32> to vector<2000x128xf32>
    %add3A = arith.addf %get3A_6, %get3A_11 : vector<2000x128xf32>
    %mul3A = vector.broadcast %get3A_1 : vector<2000x1xf32> to vector<2000x128xf32>
    %mul3A_12 = arith.mulf %mul3A, %add3A : vector<2000x128xf32>
    %mul3A_13 = arith.mulf %get3A_1, %get3A_1 : vector<2000x1xf32>
    %get3A_14 = arith.constant 0 : index
    %get3A_15 = arith.constant 0 : index
    %get3A_16 = vector.load %arg2[%get3A_14, %get3A_15] : memref<2000x128xf32, #tpu.memory_space<vmem>>, vector<2000x128xf32>
    %mul3A_17 = vector.broadcast %mul3A_13 : vector<2000x1xf32> to vector<2000x128xf32>
    %mul3A_18 = arith.mulf %mul3A_17, %get3A_16 : vector<2000x128xf32>
    %add3A_19 = arith.addf %mul3A_12, %mul3A_18 : vector<2000x128xf32>
    %get3A_20 = arith.constant 0 : index
    %get3A_21 = arith.constant 0 : index
    %get3A_22 = vector.load %arg4[%get3A_20, %get3A_21] : memref<1x128xf32, #tpu.memory_space<vmem>>, vector<1x128xf32>
    %add3A_23 = vector.broadcast %get3A_22 : vector<1x128xf32> to vector<2000x128xf32>
    %add3A_24 = arith.addf %add3A_19, %add3A_23 : vector<2000x128xf32>
    %swap3A = arith.constant 0 : index
    %swap3A_25 = arith.constant 0 : index
    %swap3A_26 = vector.load %arg5[%swap3A, %swap3A_25] : memref<2000x128xf32, #tpu.memory_space<vmem>>, vector<2000x128xf32>
    tpu.vector_store %arg5[%swap3A, %swap3A_25], %add3A_24 {strides = array<i32>} : memref<2000x128xf32, #tpu.memory_space<vmem>>, vector<2000x128xf32>,
    return
  }
  func.func @transform_0(%arg0: i32) -> (i32, i32, i32) {
    %c0_i32 = arith.constant 0 : i32
    %c0_i32_0 = arith.constant 0 : i32
    %c0_i32_1 = arith.constant 0 : i32
    return %c0_i32, %arg0, %c0_i32_0 : i32, i32, i32
  }
  func.func @transform_1(%arg0: i32) -> (i32, i32) {
    %c0_i32 = arith.constant 0 : i32
    %c0_i32_0 = arith.constant 0 : i32
    return %arg0, %c0_i32 : i32, i32
  }
  func.func @transform_2(%arg0: i32) -> (i32, i32) {
    %c0_i32 = arith.constant 0 : i32
    %c0_i32_0 = arith.constant 0 : i32
    return %arg0, %c0_i32 : i32, i32
  }
  func.func @transform_3(%arg0: i32) -> (i32, i32) {
    %c0_i32 = arith.constant 0 : i32
    %c0_i32_0 = arith.constant 0 : i32
    %c0_i32_1 = arith.constant 0 : i32
    return %c0_i32, %c0_i32_0 : i32, i32
  }
  func.func @transform_4(%arg0: i32) -> (i32, i32) {
    %c0_i32 = arith.constant 0 : i32
    %c0_i32_0 = arith.constant 0 : i32
    return %arg0, %c0_i32 : i32, i32
  }
}

</mosaic_0001>

<sc_bundles>
// kernel: kernel.11.cloned.1.call-start
scs
__scs_entry_jumppad:
0x0: {  	(pc) =	sbr.rel $0x88, $3  }
0x1: {  	(tag) =	ssettag $0x0;
	lr =	simm.s32 $0x1  }
0x2: {  	[smem:$0x3F9C] =	sst lr;
	_ =	strace $0xD0000000  }
0x3: {  	_ = 	snop  }
0x4: {  	_ = 	snop  }
0x5: {  	_ = 	snop  }
0x6: {  	_ = 	snop  }
0x7: {  	_ = 	snop  }
__scs_overlays_trampoline_lowered:
0x8: {  	[smem:$0x3FAB] =	sst s0  }
0x9: {  	[smem:$0x3FAC] =	sst s1  }
0xa: {  	[smem:$0x3FAD] =	sst s2  }
0xb: {  	[smem:$0x3FAE] =	sst s3  }
0xc: {  	[smem:$0x3FAF] =	sst s4  }
0xd: {  	[smem:$0x3FB0] =	sst s5  }
0xe: {  	[smem:$0x3FB1] =	sst s6  }
0xf: {  	[smem:$0x3FB2] =	sst s7  }
0x10: {  	[smem:$0x3FB3] =	sst s8  }
0x11: {  	[smem:$0x3FB4] =	sst s9;
	s0 =	simm.s32 @!p0 $0x0  }
0x12: {  	s1 =	sld [smem:$0x3F9A];
	s0 =	simm.s32 @p0 $0x1  }
0x13: {  	[smem:$0x3FB5] =	sst s0;
	s0 =	simm.s32 @!p1 $0x0  }
0x14: {  	s2 =	sld [smem:$0x3F99];
	s0 =	simm.s32 @p1 $0x1  }
0x15: {  	[smem:$0x3FB6] =	sst s0;
	s0 =	simm.s32 @!p2 $0x0  }
0x16: {  	s3 =	sld [smem:$0x3FDB];
	s0 =	simm.s32 @p2 $0x1  }
0x17: {  	s4 =	simm.s32 $0x1BF5;
	[smem:$0x3FB8] =	sst s0  }
0x18: {  	s0 =	sld [smem:$0x3F9B];
	_ =	swait.ge [sflag:s4], $0x0  }
0x19: {  	s7 =	sld [smem:$0x3F9C]  }
0x1a: {  	s8 =	sadd.s32 $0xFFFFE003, lr  }
0x1b: {  	s9 =	sadd.s32 $0xFFFFFEF7, lr;
	s5 =	simm.s32 $0xFFFFFFFF;
	p2 =	slt.u32 s8, $0xFFFFF086  }
0x1c: {  	p1 =	slt.u32 s9, $0xF7A;
	s5 =	simm.s32 @!p2 $0x0  }
0x1d: {  	s5 =	simm.s32 @p1 $0x1;
	p0 =	seq.s32 s7, s2  }
0x1e: {  	s7 =	smul.u32 @!p0 $0xF7A, s2;
	p2 =	seq.s32 @!p0 s5, $0x0  }
0x1f: {  	s9 =	smul.u32 $0xF7A, s1;
	s8 =	simm.s32 @!p0 $0x1BF5;
	p2 =	por !p2, p0  }
0x20: {  	[sflag:s8] =	ssyncset.s32 @!p0 $0xFFFFF086;
	s6 =	sadd.s32 @!p0 s3, s7;
	s7 =	simm.s32 @!p0 $0x108  }
0x21: {  	s3 =	sadd.s32 s3, s9;
	s6 =	sadd.s32 @!p0 $0x88, s6;
	s7 =	simm.s32 @p2 $0x1082  }
0x22: {  	[simem:s7], [sflag:s8] =	dma.local @!p0 [hbm:s6], $0xF7A  }
0x23: {  	s9 =	sor.u32 $0xD0000000, s2;
	s6 =	simm.s32 $0x108;
	_ =	swait.ge @!p0 [sflag:s8], $0x0  }
0x24: {  	s3 =	sadd.s32 $0x88, s3;
	s6 =	simm.s32 @!p1 $0x1082;
	[sflag:s4] =	ssyncset.s32 $0xFFFFF086  }
0x25: {  	[simem:s6], [sflag:s4] =	dma.local [hbm:s3], $0xF7A  }
0x26: {  	[smem:$0x3F9C] =	sst s1;
	(tag) =	ssettag s2;
	_ =	strace s9  }
0x27: {  	s1 =	sld [smem:$0x3FAC]  }
0x28: {  	s2 =	sld [smem:$0x3FAD]  }
0x29: {  	s4 =	sld [smem:$0x3FAF]  }
0x2a: {  	p0 =	seq.s32 s5, $0x0;
	s5 =	sld [smem:$0x3FB0]  }
0x2b: {  	s6 =	sld [smem:$0x3FB1]  }
0x2c: {  	s7 =	sld [smem:$0x3FB2]  }
0x2d: {  	s3 =	simm.s32 $0x108;
	s8 =	sld [smem:$0x3FB3]  }
0x2e: {  	s3 =	simm.s32 @!p0 $0x1082;
	s9 =	sld [smem:$0x3FB4]  }
0x2f: {  	lr =	sadd.s32 s0, s3;
	s0 =	sld [smem:$0x3FAB]  }
0x30: {  	s3 =	sld [smem:$0x3FAE]  }
0x31: {  	[smem:$0x3FB7] =	sst s10  }
0x32: {  	s10 =	sld [smem:$0x3FB5];
	_ =	sdelay $0x3  }
0x33: {  	p0 =	seq.s32 s10, $0x1;
	s10 =	sld [smem:$0x3FB7];
	_ =	sdelay $0x3  }
0x34: {  	[smem:$0x3FB7] =	sst s10  }
0x35: {  	s10 =	sld [smem:$0x3FB6];
	_ =	sdelay $0x3  }
0x36: {  	p1 =	seq.s32 s10, $0x1;
	s10 =	sld [smem:$0x3FB7];
	_ =	sdelay $0x3  }
0x37: {  	[smem:$0x3FB7] =	sst s10  }
0x38: {  	s10 =	sld [smem:$0x3FB8]  }
0x39: {  	_ = 	snop;
	(pc) =	sbr.ind lr, $3  }
0x3a: {  	_ = 	snop  }
0x3b: {  	_ = 	snop  }
0x3c: {  	p2 =	seq.s32 s10, $0x1;
	s10 =	sld [smem:$0x3FB7]  }
0x3d: {  	_ =	shalt  }
0x3e: {  	_ =	shalt  }
0x3f: {  	_ =	shalt  }
0x40: {  	_ =	shalt  }
0x41: {  	_ =	shalt  }
0x42: {  	_ =	shalt  }
0x43: {  	_ =	shalt  }
0x44: {  	_ =	shalt  }
0x45: {  	_ =	shalt  }
0x46: {  	_ =	shalt  }
0x47: {  	_ =	shalt  }
0x48: {  	_ =	shalt  }
0x49: {  	_ =	shalt  }
0x4a: {  	_ =	shalt  }
0x4b: {  	_ =	shalt  }
0x4c: {  	_ =	shalt  }
0x4d: {  	_ =	shalt  }
0x4e: {  	_ =	shalt  }
0x4f: {  	_ =	shalt  }
0x50: {  	_ =	shalt  }
0x51: {  	_ =	shalt  }
0x52: {  	_ =	shalt  }
0x53: {  	_ =	shalt  }
0x54: {  	_ =	shalt  }
0x55: {  	_ =	shalt  }
0x56: {  	_ =	shalt  }
0x57: {  	_ =	shalt  }
0x58: {  	_ =	shalt  }
0x59: {  	_ =	shalt  }
0x5a: {  	_ =	shalt  }
0x5b: {  	_ =	shalt  }
0x5c: {  	_ =	shalt  }
0x5d: {  	_ =	shalt  }
0x5e: {  	_ =	shalt  }
0x5f: {  	_ =	shalt  }
0x60: {  	_ =	shalt  }
0x61: {  	_ =	shalt  }
0x62: {  	_ =	shalt  }
0x63: {  	_ =	shalt  }
0x64: {  	_ =	shalt  }
0x65: {  	_ =	shalt  }
0x66: {  	_ =	shalt  }
0x67: {  	_ =	shalt  }
0x68: {  	_ =	shalt  }
0x69: {  	_ =	shalt  }
0x6a: {  	_ =	shalt  }
0x6b: {  	_ =	shalt  }
0x6c: {  	_ =	shalt  }
0x6d: {  	_ =	shalt  }
0x6e: {  	_ =	shalt  }
0x6f: {  	_ =	shalt  }
0x70: {  	_ =	shalt  }
0x71: {  	_ =	shalt  }
0x72: {  	_ =	shalt  }
0x73: {  	_ =	shalt  }
0x74: {  	_ =	shalt  }
0x75: {  	_ =	shalt  }
0x76: {  	_ =	shalt  }
0x77: {  	_ =	shalt  }
0x78: {  	_ =	shalt  }
0x79: {  	_ =	shalt  }
0x7a: {  	_ =	shalt  }
0x7b: {  	_ =	shalt  }
0x7c: {  	_ =	shalt  }
0x7d: {  	_ =	shalt  }
0x7e: {  	_ =	shalt  }
0x7f: {  	_ =	shalt  }
0x80: {  	_ =	shalt  }
0x81: {  	_ =	shalt  }
0x82: {  	_ =	shalt  }
0x83: {  	_ =	shalt  }
0x84: {  	_ =	shalt  }
0x85: {  	_ =	shalt  }
0x86: {  	_ =	shalt  }
0x87: {  	_ =	shalt  }
.Lfunc_end0:
.L_simem_size_0:
called_computation.1_lowered:
.L_overlay_start_0:
0x88: {  	s2 =	sld [smem:$0x3FD9]  }
0x89: {  	s3 =	sld [smem:$0x3FFE];
	_ =	sdelay $0x1  }
0x8a: {  	s1 =	srdreg.scid  }
0x8b: {  	s0 =	sand.u32 $0x1, s1  }
0x8c: {  	s17 =	sshll.u32 s0, $0xA;
	s2 =	sadd.s32 s3, s2  }
0x8d: {  	s2 =	sadd.s32 s2, s17  }
0x8e: {  	[smem:$0x3FC3] =	sst s2  }
0x8f: {  	_ = 	snop  }
0x90: {  	s2 =	sld [smem:$0x3FD0];
	(tm) =	ssettm $0x1  }
0x91: {  	s18 =	sld [smem:$0x3FFB];
	_ =	sdelay $0x3  }
0x92: {  	_ =	strace s18  }
0x93: {  	s3 =	sld [smem:$0x3FFC];
	_ =	sdelay $0x3  }
0x94: {  	_ =	strace s3  }
0x95: {  	s3 =	sld [smem:$0x3FFD];
	_ =	sdelay $0x3  }
0x96: {  	_ =	strace s3  }
0x97: {  	_ =	strace $0x8FFFFFFF  }
0x98: {  	s19 =	sld [smem:$0x3FDB];
	_ =	sdelay $0x1  }
0x99: {  	s4 =	simm.s32 $_scs_section_size  }
0x9a: {  	s5 =	simm.s32 $_size__tile_overlayer_lowered;
	s6 =	simm.s32 $_tile_overlayer_lowered  }
0x9b: {  	s22 =	simm.s32 $0x1BFF;
	s21 =	sshll.u32 s6, $0x1;
	s3 =	sadd.s32 s4, s19  }
0x9c: {  	s7 =	simm.s32 $0x0;
	s20 =	sshll.u32 s5, $0x1;
	s5 =	sadd.s32 s21, s3  }
0x9d: {  	[timem:s7], [sflag:s22] =	dma.local [hbm:s5], s20  }
0x9e: {  	_ =	swait.ge [sflag:s22], s20  }
0x9f: {  	s4 =	ssub.s32 $0x0, s20;
	[sflag:s22] =	ssyncset.done $0x0  }
0xa0: {  	[sflag:s22] =	ssyncadd.s32 s4;
	_ =	sdelay $0x1  }
0xa1: {  	s23 =	simm.s32 $0x1B8B  }
0xa2: {  	_ =	swait.ge [sflag:s23], $0x1  }
0xa3: {  	[sflag:s23] =	ssyncset.done $0x0  }
0xa4: {  	s25 =	simm.s32 $0x1B8E;
	s24 =	sld [smem:$0x3FFE];
	[sflag:s23] =	ssyncadd.s32 $0xFFFFFFFF  }
0xa5: {  	s26 =	simm.s32 $execute0_lowered;
	[smem:$0x3FD2] =	sst s25  }
0xa6: {  	s5 =	sshll.u32 s26, $0x1;
	_ =	strace $0x80000049;
	[dreg:$0x1] =	wrdreg $0xFFFFFFFF  }
0xa7: {  	s28 =	simm.s32 $_size_execute0_lowered;
	s3 =	sadd.s32 s3, s5;
	[dreg:$0x0] =	wrdreg $0x0  }
0xa8: {  	s5 =	sshll.u32 s28, $0x1;
	[dreg:$0x2] =	wrdreg s3  }
0xa9: {  	[dreg:$0x3] =	wrdreg s5  }
0xaa: {  	[dreg:$0x4] =	wrdreg $0xC0  }
0xab: {  	_ =	task [dreg:s7], $0x5FFFF  }
0xac: {  	[dreg:$0x1] =	wrdreg $0xFFFFFFFF  }
0xad: {  	[dreg:$0x0] =	wrdreg $0x60  }
0xae: {  	[dreg:$0x2] =	wrdreg s2  }
0xaf: {  	[dreg:$0x3] =	wrdreg s24  }
0xb0: {  	[dreg:$0x4] =	wrdreg $0xA8000  }
0xb1: {  	[dreg:$0x5] =	wrdreg $0x9  }
0xb2: {  	_ =	task.clear_ibuf [dreg:s7], $0x6FFFF;
	_ =	strace $0x90000049  }
0xb3: {  	s29 =	simm.s32 $0x9;
	_ =	strace $0x8000004B  }
0xb4: {  	_ =	swait.ge [sflag:s29], $0x1  }
0xb5: {  	[sflag:s29] =	ssyncadd.s32 $0xFFFFFFFF  }
0xb6: {  	_ =	strace $0x9000004B  }
0xb7: {  	_ =	sfence  }
0xb8: {  	s30 =	sld [smem:$0x0];
	_ =	sdelay $0x2  }
0xb9: {  	s31 =	sshll.u32 s1, $0xD;
	s1 =	sshrl.u32 s1, $0x2  }
0xba: {  	s3 =	sand.u32 $0x4000, s31;
	s1 =	sadd.s32 s1, s30  }
0xbb: {  	s0 =	sor.u32 s3, s0;
	s1 =	sshll.u32 s1, $0x11  }
0xbc: {  	s0 =	sor.u32 s1, s0  }
0xbd: {  	s0 =	sadd.s32 $0x8F2B, s0  }
0xbe: {  	[sflag:s0] =	ssyncadd.remote.s32 $0x1  }
0xbf: {  	_ =	sfence.sel $0xFFFF  }
0xc0: {  	[dreg:$0x0] =	wrdreg $0xFFFFFFFF;
	(pc) =	sbr.abs _section_cstart, $3  }
0xc1: {  	[dreg:$0x1] =	wrdreg $0xFFFFFFFF  }
0xc2: {  	_ =	task.clear_ibuf [dreg:s7], $0x2FFFF;
	_ =	strace $0x9FFFFFFF  }
0xc3: {  	(tm) =	ssettm $0x7FFFFFFF  }
tec
execute0_lowered:
.L_overlay_start_1:
0x0: {  	(tag) =	ssettag $0x1  }
0x1: {  	s1 =	rddreg [dreg:$0x0]  }
0x2: {  	s6 =	rddreg [dreg:$0x1]  }
0x3: {  	s2 =	rddreg [dreg:$0x2];
	s3 =	srdreg.scid  }
0x4: {  	s0 =	rddreg [dreg:$0x3];
	s4 =	simm.s32 $0x0;
	s16 =	simm.s32 $0x1400  }
0x5: {  	s17 =	simm.s32 $0x80;
	s18 =	simm.s32 $0x2800;
	s19 =	simm.s32 $0x6800  }
0x6: {  	s20 =	simm.s32 $0x1;
	s21 =	simm.s32 $0x2;
	s22 =	simm.s32 $0x2700  }
0x7: {  	s23 =	simm.s32 $0x2780;
	s24 =	simm.s32 $0x0;
	s7 =	sand.u32 $0x1, s3  }
0x8: {  	s3 =	stileid.u32;
	[smem:$0x7FF] =	sst s4;
	s11 =	sadd.s32 $0xBE00, s6  }
0x9: {  	s12 =	sadd.s32 $0x1E00, s6;
	s5 =	sadd.s32 $0x15E00, s6;
	s8 =	smul.u32 $0x140000, s7  }
0xa: {  	s9 =	smul.u32 $0x14000, s3;
	_ =	strace $0x8000004A;
	s25 =	ssub.s32 $0x2, s7  }
0xb: {  	s10 =	smul.u32 $0x50000, s3;
	s7 =	sshll.u32 s7, $0x4;
	s30 =	sshll.u32 s3, $0x6  }
0xc: {  	s26 =	sshrl.u32 s25, $0x1;
	s28 =	sor.u32 s3, s7;
	s8 =	sadd.s32 s9, s8  }
0xd: {  	s29 =	sshrl.u32 s10, $0x2;
	s31 =	smul.u32 $0x500, s28;
	s8 =	sshrl.u32 s8, $0x3  }
0xe: {  	s9 =	ssub.s32 s25, s26;
	s13 =	sadd.s32 s29, s2;
	s8 =	sadd.s32 s8, s6  }
0xf: {  	s6 =	sor.u32 $0x1C03, s30;
	s15 =	sadd.s32 $0xA000, s13;
	s14 =	sadd.s32 $0x280, s31  }
0x10: {  	s10 =	sadd.s32 s12, s31;
	s13 =	sshrl.u32 s13, $0x3;
	s7 =	sadd.s32 $0x17200, s8  }
0x11: {  	s8 =	smax.u32 s9, $0x1;
	s9 =	sadd.s32 s11, s31;
	s11 =	sadd.s32 s11, s14  }
0x12: {  	s12 =	sadd.s32 s12, s14;
	s14 =	simm.s32 $0x3;
	s15 =	sshrl.u32 s15, $0x3  }
.LBB2_1:
0x13: {  	[spmem:s13], [sflag:s6] =	dma.local [hbm:s5], $0x1400  }
0x14: {  	_ =	swait.ge [sflag:s14], $0x1400  }
0x15: {  	[sflag:s14] =	ssyncset.done $0x0  }
0x16: {  	[sflag:s14] =	ssyncadd.s32 $0xFFFFEC00  }
0x17: {  	[spmem:s15], [sflag:s6] =	dma.local [hbm:s5], $0x1400  }
0x18: {  	_ =	swait.ge [sflag:s14], $0x1400  }
0x19: {  	[sflag:s14] =	ssyncset.done $0x0  }
0x1a: {  	[sflag:s14] =	ssyncadd.s32 $0xFFFFEC00  }
0x1b: {  	[bflag:$0x0] =	sbarrier.arrive $0xFFFF  }
0x1c: {  	[tilespmem:s4], [sflag:$0x3] =	stream.linear.gather [hbm4b:s9+s4], $0x1400, $0x38;
	[tilespmem:$0x1E800] =	vst v63  }
0x1d: {  	_ =	swait.ge [sflag:s14], $0x1400  }
0x1e: {  	[sflag:s14] =	ssyncset.done $0x0  }
0x1f: {  	[sflag:s14] =	ssyncadd.s32 $0xFFFFEC00  }
0x20: {  	[tilespmem:s16], [sflag:$0x3] =	stream.linear.gather [hbm4b:s10+s4], $0x1400, $0x38;
	[tilespmem:$0x1E800] =	vst v63  }
0x21: {  	_ =	swait.ge [sflag:s14], $0x1400  }
0x22: {  	[sflag:s14] =	ssyncset.done $0x0  }
0x23: {  	[sflag:s14] =	ssyncadd.s32 $0xFFFFEC00  }
0x24: {  	[tilespmem:s18], [sflag:$0x1] =	stream.indirect.gather [hbm4b:s1+s17], $0x80, s4, s17, $0xb8;
	[tilespmem:$0x1E800] =	vst v63  }
0x25: {  	_ = 	snop  }
0x26: {  	[tilespmem:s19], [sflag:$0x2] =	stream.indirect.gather [hbm4b:s1+s17], $0x80, s17, s17, $0xb8;
	[tilespmem:$0x1E800] =	vst v63  }
0x27: {  	_ =	swait.ge [sflag:s20], $0x4000  }
0x28: {  	[sflag:s20] =	ssyncset.done $0x0  }
0x29: {  	s25 =	simm.s32 $0x1400;
	[sflag:s20] =	ssyncadd.s32 $0xFFFFC000  }
0x2a: {  	[spmem:s2] =	stream.indirect.scatter.add.f32 [tilespmem:s18], [sflag:$0x3], $0x80, s25, s17, $0xb8;
	[tilespmem:$0x1E800] =	vst v63  }
0x2b: {  	_ =	swait.ge [sflag:s14], $0x4000  }
0x2c: {  	[sflag:s14] =	ssyncset.done $0x0  }
0x2d: {  	s30 =	simm.s32 $0x100;
	[sflag:s14] =	ssyncadd.s32 $0xFFFFC000  }
0x2e: {  	[tilespmem:s18], [sflag:$0x1] =	stream.indirect.gather [hbm4b:s1+s17], $0x80, s30, s17, $0xb8;
	[tilespmem:$0x1E800] =	vst v63  }
0x2f: {  	_ =	swait.ge [sflag:s21], $0x4000  }
0x30: {  	[sflag:s21] =	ssyncset.done $0x0  }
0x31: {  	s31 =	simm.s32 $0x1480;
	[sflag:s21] =	ssyncadd.s32 $0xFFFFC000  }
0x32: {  	[spmem:s2] =	stream.indirect.scatter.add.f32 [tilespmem:s19], [sflag:$0x3], $0x80, s31, s17, $0xb8;
	[tilespmem:$0x1E800] =	vst v63  }
0x33: {  	_ =	swait.ge [sflag:s14], $0x4000  }
0x34: {  	[sflag:s14] =	ssyncset.done $0x0  }
0x35: {  	s26 =	simm.s32 $0x180;
	s25 =	simm.s32 $0x400;
	[sflag:s14] =	ssyncadd.s32 $0xFFFFC000  }
.LBB2_2:
0x36: {  	[tilespmem:s19], [sflag:$0x2] =	stream.indirect.gather [hbm4b:s1+s17], $0x80, s26, s17, $0xb8;
	[tilespmem:$0x1E800] =	vst v63  }
0x37: {  	s26 =	smov.u32 s25  }
0x38: {  	p0 =	sne.s32 s25, $0x4800;
	s25 =	sadd.s32 $0x400, s25;
	_ =	swait.ge [sflag:s20], $0x4000  }
0x39: {  	s26 =	sshra.s32 s26, $0x2;
	[sflag:s20] =	ssyncset.done $0x0  }
0x3a: {  	s28 =	sadd.s32 $0x1400, s26;
	[sflag:s20] =	ssyncadd.s32 $0xFFFFC000  }
0x3b: {  	[spmem:s2] =	stream.indirect.scatter.add.f32 [tilespmem:s18], [sflag:$0x3], $0x80, s28, s17, $0xb8;
	[tilespmem:$0x1E800] =	vst v63  }
0x3c: {  	_ =	swait.ge [sflag:s14], $0x4000  }
0x3d: {  	[sflag:s14] =	ssyncset.done $0x0  }
0x3e: {  	s28 =	sadd.s32 $0x100, s26;
	[sflag:s14] =	ssyncadd.s32 $0xFFFFC000  }
0x3f: {  	[tilespmem:s18], [sflag:$0x1] =	stream.indirect.gather [hbm4b:s1+s17], $0x80, s28, s17, $0xb8;
	[tilespmem:$0x1E800] =	vst v63  }
0x40: {  	_ =	swait.ge [sflag:s21], $0x4000  }
0x41: {  	[sflag:s21] =	ssyncset.done $0x0  }
.Ltmp0:
0x42: {  	s28 =	sadd.s32 $0x1480, s26;
	[sflag:s21] =	ssyncadd.s32 $0xFFFFC000;
	(pc) =	sbr.rel @p0 .LBB2_2-.Ltmp0, $4  }
0x43: {  	[spmem:s2] =	stream.indirect.scatter.add.f32 [tilespmem:s19], [sflag:$0x3], $0x80, s28, s17, $0xb8;
	[tilespmem:$0x1E800] =	vst v63  }
0x44: {  	_ =	swait.ge [sflag:s14], $0x4000  }
0x45: {  	[sflag:s14] =	ssyncset.done $0x0  }
0x46: {  	s26 =	sadd.s32 $0x180, s26;
	[sflag:s14] =	ssyncadd.s32 $0xFFFFC000  }
0x47: {  	[tilespmem:s19], [sflag:$0x2] =	stream.indirect.gather [hbm4b:s1+s17], $0x80, s26, s17, $0xb8;
	[tilespmem:$0x1E800] =	vst v63  }
0x48: {  	_ =	swait.ge [sflag:s20], $0x4000  }
0x49: {  	[sflag:s20] =	ssyncset.done $0x0  }
0x4a: {  	[sflag:s20] =	ssyncadd.s32 $0xFFFFC000  }
0x4b: {  	[spmem:s2] =	stream.indirect.scatter.add.f32 [tilespmem:s18], [sflag:$0x3], $0x80, s22, s17, $0xb8;
	[tilespmem:$0x1E800] =	vst v63  }
0x4c: {  	_ =	swait.ge [sflag:s14], $0x4000  }
0x4d: {  	[sflag:s14] =	ssyncset.done $0x0  }
0x4e: {  	[sflag:s14] =	ssyncadd.s32 $0xFFFFC000  }
0x4f: {  	_ =	swait.ge [sflag:s21], $0x4000  }
0x50: {  	[sflag:s21] =	ssyncset.done $0x0  }
0x51: {  	[sflag:s21] =	ssyncadd.s32 $0xFFFFC000  }
0x52: {  	[spmem:s2] =	stream.indirect.scatter.add.f32 [tilespmem:s19], [sflag:$0x3], $0x80, s23, s17, $0xb8;
	[tilespmem:$0x1E800] =	vst v63  }
0x53: {  	_ =	swait.ge [sflag:s14], $0x4000  }
0x54: {  	[sflag:s14] =	ssyncset.done $0x0  }
0x55: {  	s25 =	simm.s32 $0x0;
	[sflag:s14] =	ssyncadd.s32 $0xFFFFC000  }
0x56: {  	[tilespmem:s25], [sflag:$0x3] =	stream.linear.gather [hbm4b:s11+s25], $0x1400, $0x38;
	[tilespmem:$0x1E800] =	vst v63  }
0x57: {  	_ =	swait.ge [sflag:s14], $0x1400  }
0x58: {  	[sflag:s14] =	ssyncset.done $0x0  }
0x59: {  	[sflag:s14] =	ssyncadd.s32 $0xFFFFEC00  }
0x5a: {  	[tilespmem:s16], [sflag:$0x3] =	stream.linear.gather [hbm4b:s12+s25], $0x1400, $0x38;
	[tilespmem:$0x1E800] =	vst v63  }
0x5b: {  	_ =	swait.ge [sflag:s14], $0x1400  }
0x5c: {  	[sflag:s14] =	ssyncset.done $0x0  }
0x5d: {  	[sflag:s14] =	ssyncadd.s32 $0xFFFFEC00  }
0x5e: {  	[tilespmem:s18], [sflag:$0x1] =	stream.indirect.gather [hbm4b:s1+s17], $0x80, s25, s17, $0xb8;
	[tilespmem:$0x1E800] =	vst v63  }
0x5f: {  	_ = 	snop  }
0x60: {  	[tilespmem:s19], [sflag:$0x2] =	stream.indirect.gather [hbm4b:s1+s17], $0x80, s17, s17, $0xb8;
	[tilespmem:$0x1E800] =	vst v63  }
0x61: {  	_ =	swait.ge [sflag:s20], $0x4000  }
0x62: {  	[sflag:s20] =	ssyncset.done $0x0  }
0x63: {  	s29 =	simm.s32 $0x1400;
	[sflag:s20] =	ssyncadd.s32 $0xFFFFC000  }
0x64: {  	[spmem:s2] =	stream.indirect.scatter.add.f32 [tilespmem:s18], [sflag:$0x3], $0x80, s29, s17, $0xb8;
	[tilespmem:$0x1E800] =	vst v63  }
0x65: {  	_ =	swait.ge [sflag:s14], $0x4000  }
0x66: {  	[sflag:s14] =	ssyncset.done $0x0  }
0x67: {  	s30 =	simm.s32 $0x100;
	[sflag:s14] =	ssyncadd.s32 $0xFFFFC000  }
0x68: {  	[tilespmem:s18], [sflag:$0x1] =	stream.indirect.gather [hbm4b:s1+s17], $0x80, s30, s17, $0xb8;
	[tilespmem:$0x1E800] =	vst v63  }
0x69: {  	_ =	swait.ge [sflag:s21], $0x4000  }
0x6a: {  	[sflag:s21] =	ssyncset.done $0x0  }
0x6b: {  	s31 =	simm.s32 $0x1480;
	[sflag:s21] =	ssyncadd.s32 $0xFFFFC000  }
0x6c: {  	[spmem:s2] =	stream.indirect.scatter.add.f32 [tilespmem:s19], [sflag:$0x3], $0x80, s31, s17, $0xb8;
	[tilespmem:$0x1E800] =	vst v63  }
0x6d: {  	_ =	swait.ge [sflag:s14], $0x4000  }
0x6e: {  	[sflag:s14] =	ssyncset.done $0x0  }
0x6f: {  	s26 =	simm.s32 $0x180;
	s25 =	simm.s32 $0x400;
	[sflag:s14] =	ssyncadd.s32 $0xFFFFC000  }
.LBB2_4:
0x70: {  	[tilespmem:s19], [sflag:$0x2] =	stream.indirect.gather [hbm4b:s1+s17], $0x80, s26, s17, $0xb8;
	[tilespmem:$0x1E800] =	vst v63  }
0x71: {  	s26 =	smov.u32 s25  }
0x72: {  	p0 =	sne.s32 s25, $0x4800;
	s25 =	sadd.s32 $0x400, s25;
	_ =	swait.ge [sflag:s20], $0x4000  }
0x73: {  	s26 =	sshra.s32 s26, $0x2;
	[sflag:s20] =	ssyncset.done $0x0  }
0x74: {  	s28 =	sadd.s32 $0x1400, s26;
	[sflag:s20] =	ssyncadd.s32 $0xFFFFC000  }
0x75: {  	[spmem:s2] =	stream.indirect.scatter.add.f32 [tilespmem:s18], [sflag:$0x3], $0x80, s28, s17, $0xb8;
	[tilespmem:$0x1E800] =	vst v63  }
0x76: {  	_ =	swait.ge [sflag:s14], $0x4000  }
0x77: {  	[sflag:s14] =	ssyncset.done $0x0  }
0x78: {  	s28 =	sadd.s32 $0x100, s26;
	[sflag:s14] =	ssyncadd.s32 $0xFFFFC000  }
0x79: {  	[tilespmem:s18], [sflag:$0x1] =	stream.indirect.gather [hbm4b:s1+s17], $0x80, s28, s17, $0xb8;
	[tilespmem:$0x1E800] =	vst v63  }
0x7a: {  	_ =	swait.ge [sflag:s21], $0x4000  }
0x7b: {  	[sflag:s21] =	ssyncset.done $0x0  }
.Ltmp1:
0x7c: {  	s28 =	sadd.s32 $0x1480, s26;
	[sflag:s21] =	ssyncadd.s32 $0xFFFFC000;
	(pc) =	sbr.rel @p0 .LBB2_4-.Ltmp1, $4  }
0x7d: {  	[spmem:s2] =	stream.indirect.scatter.add.f32 [tilespmem:s19], [sflag:$0x3], $0x80, s28, s17, $0xb8;
	[tilespmem:$0x1E800] =	vst v63  }
0x7e: {  	_ =	swait.ge [sflag:s14], $0x4000  }
0x7f: {  	[sflag:s14] =	ssyncset.done $0x0  }
0x80: {  	s26 =	sadd.s32 $0x180, s26;
	[sflag:s14] =	ssyncadd.s32 $0xFFFFC000  }
0x81: {  	[tilespmem:s19], [sflag:$0x2] =	stream.indirect.gather [hbm4b:s1+s17], $0x80, s26, s17, $0xb8;
	[tilespmem:$0x1E800] =	vst v63  }
0x82: {  	_ =	swait.ge [sflag:s20], $0x4000  }
0x83: {  	[sflag:s20] =	ssyncset.done $0x0  }
0x84: {  	[sflag:s20] =	ssyncadd.s32 $0xFFFFC000  }
0x85: {  	[spmem:s2] =	stream.indirect.scatter.add.f32 [tilespmem:s18], [sflag:$0x3], $0x80, s22, s17, $0xb8;
	[tilespmem:$0x1E800] =	vst v63  }
0x86: {  	_ =	swait.ge [sflag:s14], $0x4000  }
0x87: {  	[sflag:s14] =	ssyncset.done $0x0  }
0x88: {  	[sflag:s14] =	ssyncadd.s32 $0xFFFFC000  }
0x89: {  	_ =	swait.ge [sflag:s21], $0x4000  }
0x8a: {  	[sflag:s21] =	ssyncset.done $0x0  }
0x8b: {  	[sflag:s21] =	ssyncadd.s32 $0xFFFFC000  }
0x8c: {  	[spmem:s2] =	stream.indirect.scatter.add.f32 [tilespmem:s19], [sflag:$0x3], $0x80, s23, s17, $0xb8;
	[tilespmem:$0x1E800] =	vst v63  }
0x8d: {  	_ =	swait.ge [sflag:s14], $0x4000  }
0x8e: {  	s24 =	sadd.s32 $0x1, s24;
	[sflag:s14] =	ssyncset.done $0x0  }
0x8f: {  	p0 =	sne.s32 s24, s8;
	[sflag:s14] =	ssyncadd.s32 $0xFFFFC000  }
.Ltmp2:
0x90: {  	[bflag:$0x0] =	sbarrier.arrive $0xFFFF;
	(pc) =	sbr.rel @p0 .LBB2_1-.Ltmp2, $4  }
0x91: {  	[hbm:s7], [sflag:s6] =	dma.local [spmem:s13], $0x2800  }
0x92: {  	_ =	swait.ge [sflag:s14], $0x2800  }
0x93: {  	[sflag:s14] =	ssyncset.done $0x0  }
0x94: {  	[sflag:s14] =	ssyncadd.s32 $0xFFFFD800  }
0x95: {  	_ =	sfence.sel $0x180000  }
0x96: {  	[bflag:$0x0] =	sbarrier.arrive $0xFFFF  }
0x97: {  	p0 =	sne.s32 s3, $0x0;
	_ =	strace $0x9000004A  }
0x98: {  	s0 =	sadd.s32 @!p0 $0x100000, s0;
	[bflag:$0x2] =	sbarrier.arrive $0xFFFF  }
0x99: {  	[sflag:s0] =	ssyncadd.tile.s32 @!p0 $0x1;
	_ =	shalt  }
.Lfunc_end2:
_tile_overlayer_lowered:
.L_overlay_start_2:
0x9a: {  	(tag) =	ssettag $0x2  }
0x9b: {  	s0 =	rddreg [dreg:$0x0];
	s2 =	stileid.u32  }
0x9c: {  	s1 =	rddreg [dreg:$0x1];
	p0 =	sne.s32 s2, $0x0  }
0x9d: {  	s3 =	rddreg [dreg:$0x2];
	[bflag:$0x3] =	sbarrier.arrive $0xFFFF;
	s2 =	simm.s32 @!p0 $0x1C03  }
0x9e: {  	[timem:s3], [sflag:s2] =	dma.local @!p0 [hbm:s0], s1  }
0x9f: {  	s0 =	simm.s32 @!p0 $0x3  }
0xa0: {  	_ =	swait.ge @!p0 [sflag:s0], s1  }
0xa1: {  	s1 =	ssub.s32 @!p0 $0x0, s1;
	[sflag:s0] =	ssyncset.done @!p0 $0x0  }
0xa2: {  	[sflag:s0] =	ssyncadd.s32 @!p0 s1  }
0xa3: {  	[bflag:$0x3] =	sbarrier.arrive $0xFFFF  }
0xa4: {  	_ =	shalt  }

// kernel: kernel.14.cloned.1.call-start
scs
__scs_entry_jumppad:
0x0: {  	(pc) =	sbr.rel $0x88, $3  }
0x1: {  	(tag) =	ssettag $0x0;
	lr =	simm.s32 $0x1  }
0x2: {  	[smem:$0x3F9C] =	sst lr;
	_ =	strace $0xD0000000  }
0x3: {  	_ = 	snop  }
0x4: {  	_ = 	snop  }
0x5: {  	_ = 	snop  }
0x6: {  	_ = 	snop  }
0x7: {  	_ = 	snop  }
__scs_overlays_trampoline_lowered:
0x8: {  	[smem:$0x3FAB] =	sst s0  }
0x9: {  	[smem:$0x3FAC] =	sst s1  }
0xa: {  	[smem:$0x3FAD] =	sst s2  }
0xb: {  	[smem:$0x3FAE] =	sst s3  }
0xc: {  	[smem:$0x3FAF] =	sst s4  }
0xd: {  	[smem:$0x3FB0] =	sst s5  }
0xe: {  	[smem:$0x3FB1] =	sst s6  }
0xf: {  	[smem:$0x3FB2] =	sst s7  }
0x10: {  	[smem:$0x3FB3] =	sst s8  }
0x11: {  	[smem:$0x3FB4] =	sst s9;
	s0 =	simm.s32 @!p0 $0x0  }
0x12: {  	s1 =	sld [smem:$0x3F9A];
	s0 =	simm.s32 @p0 $0x1  }
0x13: {  	[smem:$0x3FB5] =	sst s0;
	s0 =	simm.s32 @!p1 $0x0  }
0x14: {  	s2 =	sld [smem:$0x3F99];
	s0 =	simm.s32 @p1 $0x1  }
0x15: {  	[smem:$0x3FB6] =	sst s0;
	s0 =	simm.s32 @!p2 $0x0  }
0x16: {  	s3 =	sld [smem:$0x3FDB];
	s0 =	simm.s32 @p2 $0x1  }
0x17: {  	s4 =	simm.s32 $0x1BF5;
	[smem:$0x3FB8] =	sst s0  }
0x18: {  	s0 =	sld [smem:$0x3F9B];
	_ =	swait.ge [sflag:s4], $0x0  }
0x19: {  	s7 =	sld [smem:$0x3F9C]  }
0x1a: {  	s8 =	sadd.s32 $0xFFFFE003, lr  }
0x1b: {  	s9 =	sadd.s32 $0xFFFFFEF7, lr;
	s5 =	simm.s32 $0xFFFFFFFF;
	p2 =	slt.u32 s8, $0xFFFFF086  }
0x1c: {  	p1 =	slt.u32 s9, $0xF7A;
	s5 =	simm.s32 @!p2 $0x0  }
0x1d: {  	s5 =	simm.s32 @p1 $0x1;
	p0 =	seq.s32 s7, s2  }
0x1e: {  	s7 =	smul.u32 @!p0 $0xF7A, s2;
	p2 =	seq.s32 @!p0 s5, $0x0  }
0x1f: {  	s9 =	smul.u32 $0xF7A, s1;
	s8 =	simm.s32 @!p0 $0x1BF5;
	p2 =	por !p2, p0  }
0x20: {  	[sflag:s8] =	ssyncset.s32 @!p0 $0xFFFFF086;
	s6 =	sadd.s32 @!p0 s3, s7;
	s7 =	simm.s32 @!p0 $0x108  }
0x21: {  	s3 =	sadd.s32 s3, s9;
	s6 =	sadd.s32 @!p0 $0x88, s6;
	s7 =	simm.s32 @p2 $0x1082  }
0x22: {  	[simem:s7], [sflag:s8] =	dma.local @!p0 [hbm:s6], $0xF7A  }
0x23: {  	s9 =	sor.u32 $0xD0000000, s2;
	s6 =	simm.s32 $0x108;
	_ =	swait.ge @!p0 [sflag:s8], $0x0  }
0x24: {  	s3 =	sadd.s32 $0x88, s3;
	s6 =	simm.s32 @!p1 $0x1082;
	[sflag:s4] =	ssyncset.s32 $0xFFFFF086  }
0x25: {  	[simem:s6], [sflag:s4] =	dma.local [hbm:s3], $0xF7A  }
0x26: {  	[smem:$0x3F9C] =	sst s1;
	(tag) =	ssettag s2;
	_ =	strace s9  }
0x27: {  	s1 =	sld [smem:$0x3FAC]  }
0x28: {  	s2 =	sld [smem:$0x3FAD]  }
0x29: {  	s4 =	sld [smem:$0x3FAF]  }
0x2a: {  	p0 =	seq.s32 s5, $0x0;
	s5 =	sld [smem:$0x3FB0]  }
0x2b: {  	s6 =	sld [smem:$0x3FB1]  }
0x2c: {  	s7 =	sld [smem:$0x3FB2]  }
0x2d: {  	s3 =	simm.s32 $0x108;
	s8 =	sld [smem:$0x3FB3]  }
0x2e: {  	s3 =	simm.s32 @!p0 $0x1082;
	s9 =	sld [smem:$0x3FB4]  }
0x2f: {  	lr =	sadd.s32 s0, s3;
	s0 =	sld [smem:$0x3FAB]  }
0x30: {  	s3 =	sld [smem:$0x3FAE]  }
0x31: {  	[smem:$0x3FB7] =	sst s10  }
0x32: {  	s10 =	sld [smem:$0x3FB5];
	_ =	sdelay $0x3  }
0x33: {  	p0 =	seq.s32 s10, $0x1;
	s10 =	sld [smem:$0x3FB7];
	_ =	sdelay $0x3  }
0x34: {  	[smem:$0x3FB7] =	sst s10  }
0x35: {  	s10 =	sld [smem:$0x3FB6];
	_ =	sdelay $0x3  }
0x36: {  	p1 =	seq.s32 s10, $0x1;
	s10 =	sld [smem:$0x3FB7];
	_ =	sdelay $0x3  }
0x37: {  	[smem:$0x3FB7] =	sst s10  }
0x38: {  	s10 =	sld [smem:$0x3FB8]  }
0x39: {  	_ = 	snop;
	(pc) =	sbr.ind lr, $3  }
0x3a: {  	_ = 	snop  }
0x3b: {  	_ = 	snop  }
0x3c: {  	p2 =	seq.s32 s10, $0x1;
	s10 =	sld [smem:$0x3FB7]  }
0x3d: {  	_ =	shalt  }
0x3e: {  	_ =	shalt  }
0x3f: {  	_ =	shalt  }
0x40: {  	_ =	shalt  }
0x41: {  	_ =	shalt  }
0x42: {  	_ =	shalt  }
0x43: {  	_ =	shalt  }
0x44: {  	_ =	shalt  }
0x45: {  	_ =	shalt  }
0x46: {  	_ =	shalt  }
0x47: {  	_ =	shalt  }
0x48: {  	_ =	shalt  }
0x49: {  	_ =	shalt  }
0x4a: {  	_ =	shalt  }
0x4b: {  	_ =	shalt  }
0x4c: {  	_ =	shalt  }
0x4d: {  	_ =	shalt  }
0x4e: {  	_ =	shalt  }
0x4f: {  	_ =	shalt  }
0x50: {  	_ =	shalt  }
0x51: {  	_ =	shalt  }
0x52: {  	_ =	shalt  }
0x53: {  	_ =	shalt  }
0x54: {  	_ =	shalt  }
0x55: {  	_ =	shalt  }
0x56: {  	_ =	shalt  }
0x57: {  	_ =	shalt  }
0x58: {  	_ =	shalt  }
0x59: {  	_ =	shalt  }
0x5a: {  	_ =	shalt  }
0x5b: {  	_ =	shalt  }
0x5c: {  	_ =	shalt  }
0x5d: {  	_ =	shalt  }
0x5e: {  	_ =	shalt  }
0x5f: {  	_ =	shalt  }
0x60: {  	_ =	shalt  }
0x61: {  	_ =	shalt  }
0x62: {  	_ =	shalt  }
0x63: {  	_ =	shalt  }
0x64: {  	_ =	shalt  }
0x65: {  	_ =	shalt  }
0x66: {  	_ =	shalt  }
0x67: {  	_ =	shalt  }
0x68: {  	_ =	shalt  }
0x69: {  	_ =	shalt  }
0x6a: {  	_ =	shalt  }
0x6b: {  	_ =	shalt  }
0x6c: {  	_ =	shalt  }
0x6d: {  	_ =	shalt  }
0x6e: {  	_ =	shalt  }
0x6f: {  	_ =	shalt  }
0x70: {  	_ =	shalt  }
0x71: {  	_ =	shalt  }
0x72: {  	_ =	shalt  }
0x73: {  	_ =	shalt  }
0x74: {  	_ =	shalt  }
0x75: {  	_ =	shalt  }
0x76: {  	_ =	shalt  }
0x77: {  	_ =	shalt  }
0x78: {  	_ =	shalt  }
0x79: {  	_ =	shalt  }
0x7a: {  	_ =	shalt  }
0x7b: {  	_ =	shalt  }
0x7c: {  	_ =	shalt  }
0x7d: {  	_ =	shalt  }
0x7e: {  	_ =	shalt  }
0x7f: {  	_ =	shalt  }
0x80: {  	_ =	shalt  }
0x81: {  	_ =	shalt  }
0x82: {  	_ =	shalt  }
0x83: {  	_ =	shalt  }
0x84: {  	_ =	shalt  }
0x85: {  	_ =	shalt  }
0x86: {  	_ =	shalt  }
0x87: {  	_ =	shalt  }
.Lfunc_end0:
.L_simem_size_0:
called_computation.2_lowered:
.L_overlay_start_0:
0x88: {  	s2 =	sld [smem:$0x3FD9]  }
0x89: {  	s3 =	sld [smem:$0x3FFE];
	_ =	sdelay $0x1  }
0x8a: {  	s1 =	srdreg.scid  }
0x8b: {  	s0 =	sand.u32 $0x1, s1  }
0x8c: {  	s17 =	sshll.u32 s0, $0xA;
	s2 =	sadd.s32 s3, s2  }
0x8d: {  	s2 =	sadd.s32 s2, s17  }
0x8e: {  	[smem:$0x3FC3] =	sst s2  }
0x8f: {  	_ = 	snop  }
0x90: {  	s2 =	sld [smem:$0x3FD0];
	(tm) =	ssettm $0x1  }
0x91: {  	s18 =	sld [smem:$0x3FFB];
	_ =	sdelay $0x3  }
0x92: {  	_ =	strace s18  }
0x93: {  	s3 =	sld [smem:$0x3FFC];
	_ =	sdelay $0x3  }
0x94: {  	_ =	strace s3  }
0x95: {  	s3 =	sld [smem:$0x3FFD];
	_ =	sdelay $0x3  }
0x96: {  	_ =	strace s3  }
0x97: {  	_ =	strace $0x8FFFFFFF  }
0x98: {  	s19 =	sld [smem:$0x3FDB];
	_ =	sdelay $0x1  }
0x99: {  	s4 =	simm.s32 $_scs_section_size  }
0x9a: {  	s5 =	simm.s32 $_size__tile_overlayer_lowered;
	s6 =	simm.s32 $_tile_overlayer_lowered  }
0x9b: {  	s22 =	simm.s32 $0x1BFF;
	s21 =	sshll.u32 s6, $0x1;
	s3 =	sadd.s32 s4, s19  }
0x9c: {  	s7 =	simm.s32 $0x0;
	s20 =	sshll.u32 s5, $0x1;
	s5 =	sadd.s32 s21, s3  }
0x9d: {  	[timem:s7], [sflag:s22] =	dma.local [hbm:s5], s20  }
0x9e: {  	_ =	swait.ge [sflag:s22], s20  }
0x9f: {  	s4 =	ssub.s32 $0x0, s20;
	[sflag:s22] =	ssyncset.done $0x0  }
0xa0: {  	[sflag:s22] =	ssyncadd.s32 s4;
	_ =	sdelay $0x1  }
0xa1: {  	s23 =	simm.s32 $0x1B8B  }
0xa2: {  	_ =	swait.ge [sflag:s23], $0x1  }
0xa3: {  	[sflag:s23] =	ssyncset.done $0x0  }
0xa4: {  	s25 =	simm.s32 $0x1B8E;
	s24 =	sld [smem:$0x3FFE];
	[sflag:s23] =	ssyncadd.s32 $0xFFFFFFFF  }
0xa5: {  	s26 =	simm.s32 $execute0_lowered;
	[smem:$0x3FD2] =	sst s25  }
0xa6: {  	s5 =	sshll.u32 s26, $0x1;
	_ =	strace $0x8000004C;
	[dreg:$0x1] =	wrdreg $0xFFFFFFFF  }
0xa7: {  	s28 =	simm.s32 $_size_execute0_lowered;
	s3 =	sadd.s32 s3, s5;
	[dreg:$0x0] =	wrdreg $0x0  }
0xa8: {  	s5 =	sshll.u32 s28, $0x1;
	[dreg:$0x2] =	wrdreg s3  }
0xa9: {  	[dreg:$0x3] =	wrdreg s5  }
0xaa: {  	[dreg:$0x4] =	wrdreg $0xC0  }
0xab: {  	_ =	task [dreg:s7], $0x5FFFF  }
0xac: {  	[dreg:$0x1] =	wrdreg $0xFFFFFFFF  }
0xad: {  	[dreg:$0x0] =	wrdreg $0x60  }
0xae: {  	[dreg:$0x2] =	wrdreg s2  }
0xaf: {  	[dreg:$0x3] =	wrdreg s24  }
0xb0: {  	[dreg:$0x4] =	wrdreg $0xA8000  }
0xb1: {  	[dreg:$0x5] =	wrdreg $0x9  }
0xb2: {  	_ =	task.clear_ibuf [dreg:s7], $0x6FFFF;
	_ =	strace $0x9000004C  }
0xb3: {  	s29 =	simm.s32 $0x9;
	_ =	strace $0x8000004E  }
0xb4: {  	_ =	swait.ge [sflag:s29], $0x1  }
0xb5: {  	[sflag:s29] =	ssyncadd.s32 $0xFFFFFFFF  }
0xb6: {  	_ =	strace $0x9000004E  }
0xb7: {  	_ =	sfence  }
0xb8: {  	s30 =	sld [smem:$0x0];
	_ =	sdelay $0x2  }
0xb9: {  	s31 =	sshll.u32 s1, $0xD;
	s1 =	sshrl.u32 s1, $0x2  }
0xba: {  	s3 =	sand.u32 $0x4000, s31;
	s1 =	sadd.s32 s1, s30  }
0xbb: {  	s0 =	sor.u32 s3, s0;
	s1 =	sshll.u32 s1, $0x11  }
0xbc: {  	s0 =	sor.u32 s1, s0  }
0xbd: {  	s0 =	sadd.s32 $0x8F2B, s0  }
0xbe: {  	[sflag:s0] =	ssyncadd.remote.s32 $0x1  }
0xbf: {  	_ =	sfence.sel $0xFFFF  }
0xc0: {  	[dreg:$0x0] =	wrdreg $0xFFFFFFFF;
	(pc) =	sbr.abs _section_cstart, $3  }
0xc1: {  	[dreg:$0x1] =	wrdreg $0xFFFFFFFF  }
0xc2: {  	_ =	task.clear_ibuf [dreg:s7], $0x2FFFF;
	_ =	strace $0x9FFFFFFF  }
0xc3: {  	(tm) =	ssettm $0x7FFFFFFF  }
tec
execute0_lowered:
.L_overlay_start_1:
0x0: {  	(tag) =	ssettag $0x1  }
0x1: {  	s1 =	rddreg [dreg:$0x0]  }
0x2: {  	s6 =	rddreg [dreg:$0x1]  }
0x3: {  	s2 =	rddreg [dreg:$0x2];
	s3 =	srdreg.scid  }
0x4: {  	s0 =	rddreg [dreg:$0x3];
	s4 =	simm.s32 $0x0;
	s16 =	simm.s32 $0x1400  }
0x5: {  	s17 =	simm.s32 $0x80;
	s18 =	simm.s32 $0x2800;
	s19 =	simm.s32 $0x6800  }
0x6: {  	s20 =	simm.s32 $0x1;
	s21 =	simm.s32 $0x2;
	s22 =	simm.s32 $0x2700  }
0x7: {  	s23 =	simm.s32 $0x2780;
	s24 =	simm.s32 $0x0;
	s7 =	sand.u32 $0x1, s3  }
0x8: {  	s3 =	stileid.u32;
	[smem:$0x7FF] =	sst s4;
	s11 =	sadd.s32 $0xBE00, s6  }
0x9: {  	s12 =	sadd.s32 $0x1E00, s6;
	s5 =	sadd.s32 $0x15E00, s6;
	s8 =	smul.u32 $0x140000, s7  }
0xa: {  	s9 =	smul.u32 $0x14000, s3;
	_ =	strace $0x8000004D;
	s25 =	ssub.s32 $0x2, s7  }
0xb: {  	s10 =	smul.u32 $0x50000, s3;
	s7 =	sshll.u32 s7, $0x4;
	s30 =	sshll.u32 s3, $0x6  }
0xc: {  	s26 =	sshrl.u32 s25, $0x1;
	s28 =	sor.u32 s3, s7;
	s8 =	sadd.s32 s9, s8  }
0xd: {  	s29 =	sshrl.u32 s10, $0x2;
	s31 =	smul.u32 $0x500, s28;
	s8 =	sshrl.u32 s8, $0x3  }
0xe: {  	s9 =	ssub.s32 s25, s26;
	s13 =	sadd.s32 s29, s2;
	s8 =	sadd.s32 s8, s6  }
0xf: {  	s6 =	sor.u32 $0x1C03, s30;
	s15 =	sadd.s32 $0xA000, s13;
	s14 =	sadd.s32 $0x280, s31  }
0x10: {  	s10 =	sadd.s32 s12, s31;
	s13 =	sshrl.u32 s13, $0x3;
	s7 =	sadd.s32 $0x17200, s8  }
0x11: {  	s8 =	smax.u32 s9, $0x1;
	s9 =	sadd.s32 s11, s31;
	s11 =	sadd.s32 s11, s14  }
0x12: {  	s12 =	sadd.s32 s12, s14;
	s14 =	simm.s32 $0x3;
	s15 =	sshrl.u32 s15, $0x3  }
.LBB2_1:
0x13: {  	[spmem:s13], [sflag:s6] =	dma.local [hbm:s5], $0x1400  }
0x14: {  	_ =	swait.ge [sflag:s14], $0x1400  }
0x15: {  	[sflag:s14] =	ssyncset.done $0x0  }
0x16: {  	[sflag:s14] =	ssyncadd.s32 $0xFFFFEC00  }
0x17: {  	[spmem:s15], [sflag:s6] =	dma.local [hbm:s5], $0x1400  }
0x18: {  	_ =	swait.ge [sflag:s14], $0x1400  }
0x19: {  	[sflag:s14] =	ssyncset.done $0x0  }
0x1a: {  	[sflag:s14] =	ssyncadd.s32 $0xFFFFEC00  }
0x1b: {  	[bflag:$0x0] =	sbarrier.arrive $0xFFFF  }
0x1c: {  	[tilespmem:s4], [sflag:$0x3] =	stream.linear.gather [hbm4b:s9+s4], $0x1400, $0x38;
	[tilespmem:$0x1E800] =	vst v63  }
0x1d: {  	_ =	swait.ge [sflag:s14], $0x1400  }
0x1e: {  	[sflag:s14] =	ssyncset.done $0x0  }
0x1f: {  	[sflag:s14] =	ssyncadd.s32 $0xFFFFEC00  }
0x20: {  	[tilespmem:s16], [sflag:$0x3] =	stream.linear.gather [hbm4b:s10+s4], $0x1400, $0x38;
	[tilespmem:$0x1E800] =	vst v63  }
0x21: {  	_ =	swait.ge [sflag:s14], $0x1400  }
0x22: {  	[sflag:s14] =	ssyncset.done $0x0  }
0x23: {  	[sflag:s14] =	ssyncadd.s32 $0xFFFFEC00  }
0x24: {  	[tilespmem:s18], [sflag:$0x1] =	stream.indirect.gather [hbm4b:s1+s17], $0x80, s4, s17, $0xb8;
	[tilespmem:$0x1E800] =	vst v63  }
0x25: {  	_ = 	snop  }
0x26: {  	[tilespmem:s19], [sflag:$0x2] =	stream.indirect.gather [hbm4b:s1+s17], $0x80, s17, s17, $0xb8;
	[tilespmem:$0x1E800] =	vst v63  }
0x27: {  	_ =	swait.ge [sflag:s20], $0x4000  }
0x28: {  	[sflag:s20] =	ssyncset.done $0x0  }
0x29: {  	s25 =	simm.s32 $0x1400;
	[sflag:s20] =	ssyncadd.s32 $0xFFFFC000  }
0x2a: {  	[spmem:s2] =	stream.indirect.scatter.add.f32 [tilespmem:s18], [sflag:$0x3], $0x80, s25, s17, $0xb8;
	[tilespmem:$0x1E800] =	vst v63  }
0x2b: {  	_ =	swait.ge [sflag:s14], $0x4000  }
0x2c: {  	[sflag:s14] =	ssyncset.done $0x0  }
0x2d: {  	s30 =	simm.s32 $0x100;
	[sflag:s14] =	ssyncadd.s32 $0xFFFFC000  }
0x2e: {  	[tilespmem:s18], [sflag:$0x1] =	stream.indirect.gather [hbm4b:s1+s17], $0x80, s30, s17, $0xb8;
	[tilespmem:$0x1E800] =	vst v63  }
0x2f: {  	_ =	swait.ge [sflag:s21], $0x4000  }
0x30: {  	[sflag:s21] =	ssyncset.done $0x0  }
0x31: {  	s31 =	simm.s32 $0x1480;
	[sflag:s21] =	ssyncadd.s32 $0xFFFFC000  }
0x32: {  	[spmem:s2] =	stream.indirect.scatter.add.f32 [tilespmem:s19], [sflag:$0x3], $0x80, s31, s17, $0xb8;
	[tilespmem:$0x1E800] =	vst v63  }
0x33: {  	_ =	swait.ge [sflag:s14], $0x4000  }
0x34: {  	[sflag:s14] =	ssyncset.done $0x0  }
0x35: {  	s26 =	simm.s32 $0x180;
	s25 =	simm.s32 $0x400;
	[sflag:s14] =	ssyncadd.s32 $0xFFFFC000  }
.LBB2_2:
0x36: {  	[tilespmem:s19], [sflag:$0x2] =	stream.indirect.gather [hbm4b:s1+s17], $0x80, s26, s17, $0xb8;
	[tilespmem:$0x1E800] =	vst v63  }
0x37: {  	s26 =	smov.u32 s25  }
0x38: {  	p0 =	sne.s32 s25, $0x4800;
	s25 =	sadd.s32 $0x400, s25;
	_ =	swait.ge [sflag:s20], $0x4000  }
0x39: {  	s26 =	sshra.s32 s26, $0x2;
	[sflag:s20] =	ssyncset.done $0x0  }
0x3a: {  	s28 =	sadd.s32 $0x1400, s26;
	[sflag:s20] =	ssyncadd.s32 $0xFFFFC000  }
0x3b: {  	[spmem:s2] =	stream.indirect.scatter.add.f32 [tilespmem:s18], [sflag:$0x3], $0x80, s28, s17, $0xb8;
	[tilespmem:$0x1E800] =	vst v63  }
0x3c: {  	_ =	swait.ge [sflag:s14], $0x4000  }
0x3d: {  	[sflag:s14] =	ssyncset.done $0x0  }
0x3e: {  	s28 =	sadd.s32 $0x100, s26;
	[sflag:s14] =	ssyncadd.s32 $0xFFFFC000  }
0x3f: {  	[tilespmem:s18], [sflag:$0x1] =	stream.indirect.gather [hbm4b:s1+s17], $0x80, s28, s17, $0xb8;
	[tilespmem:$0x1E800] =	vst v63  }
0x40: {  	_ =	swait.ge [sflag:s21], $0x4000  }
0x41: {  	[sflag:s21] =	ssyncset.done $0x0  }
.Ltmp0:
0x42: {  	s28 =	sadd.s32 $0x1480, s26;
	[sflag:s21] =	ssyncadd.s32 $0xFFFFC000;
	(pc) =	sbr.rel @p0 .LBB2_2-.Ltmp0, $4  }
0x43: {  	[spmem:s2] =	stream.indirect.scatter.add.f32 [tilespmem:s19], [sflag:$0x3], $0x80, s28, s17, $0xb8;
	[tilespmem:$0x1E800] =	vst v63  }
0x44: {  	_ =	swait.ge [sflag:s14], $0x4000  }
0x45: {  	[sflag:s14] =	ssyncset.done $0x0  }
0x46: {  	s26 =	sadd.s32 $0x180, s26;
	[sflag:s14] =	ssyncadd.s32 $0xFFFFC000  }
0x47: {  	[tilespmem:s19], [sflag:$0x2] =	stream.indirect.gather [hbm4b:s1+s17], $0x80, s26, s17, $0xb8;
	[tilespmem:$0x1E800] =	vst v63  }
0x48: {  	_ =	swait.ge [sflag:s20], $0x4000  }
0x49: {  	[sflag:s20] =	ssyncset.done $0x0  }
0x4a: {  	[sflag:s20] =	ssyncadd.s32 $0xFFFFC000  }
0x4b: {  	[spmem:s2] =	stream.indirect.scatter.add.f32 [tilespmem:s18], [sflag:$0x3], $0x80, s22, s17, $0xb8;
	[tilespmem:$0x1E800] =	vst v63  }
0x4c: {  	_ =	swait.ge [sflag:s14], $0x4000  }
0x4d: {  	[sflag:s14] =	ssyncset.done $0x0  }
0x4e: {  	[sflag:s14] =	ssyncadd.s32 $0xFFFFC000  }
0x4f: {  	_ =	swait.ge [sflag:s21], $0x4000  }
0x50: {  	[sflag:s21] =	ssyncset.done $0x0  }
0x51: {  	[sflag:s21] =	ssyncadd.s32 $0xFFFFC000  }
0x52: {  	[spmem:s2] =	stream.indirect.scatter.add.f32 [tilespmem:s19], [sflag:$0x3], $0x80, s23, s17, $0xb8;
	[tilespmem:$0x1E800] =	vst v63  }
0x53: {  	_ =	swait.ge [sflag:s14], $0x4000  }
0x54: {  	[sflag:s14] =	ssyncset.done $0x0  }
0x55: {  	s25 =	simm.s32 $0x0;
	[sflag:s14] =	ssyncadd.s32 $0xFFFFC000  }
0x56: {  	[tilespmem:s25], [sflag:$0x3] =	stream.linear.gather [hbm4b:s11+s25], $0x1400, $0x38;
	[tilespmem:$0x1E800] =	vst v63  }
0x57: {  	_ =	swait.ge [sflag:s14], $0x1400  }
0x58: {  	[sflag:s14] =	ssyncset.done $0x0  }
0x59: {  	[sflag:s14] =	ssyncadd.s32 $0xFFFFEC00  }
0x5a: {  	[tilespmem:s16], [sflag:$0x3] =	stream.linear.gather [hbm4b:s12+s25], $0x1400, $0x38;
	[tilespmem:$0x1E800] =	vst v63  }
0x5b: {  	_ =	swait.ge [sflag:s14], $0x1400  }
0x5c: {  	[sflag:s14] =	ssyncset.done $0x0  }
0x5d: {  	[sflag:s14] =	ssyncadd.s32 $0xFFFFEC00  }
0x5e: {  	[tilespmem:s18], [sflag:$0x1] =	stream.indirect.gather [hbm4b:s1+s17], $0x80, s25, s17, $0xb8;
	[tilespmem:$0x1E800] =	vst v63  }
0x5f: {  	_ = 	snop  }
0x60: {  	[tilespmem:s19], [sflag:$0x2] =	stream.indirect.gather [hbm4b:s1+s17], $0x80, s17, s17, $0xb8;
	[tilespmem:$0x1E800] =	vst v63  }
0x61: {  	_ =	swait.ge [sflag:s20], $0x4000  }
0x62: {  	[sflag:s20] =	ssyncset.done $0x0  }
0x63: {  	s29 =	simm.s32 $0x1400;
	[sflag:s20] =	ssyncadd.s32 $0xFFFFC000  }
0x64: {  	[spmem:s2] =	stream.indirect.scatter.add.f32 [tilespmem:s18], [sflag:$0x3], $0x80, s29, s17, $0xb8;
	[tilespmem:$0x1E800] =	vst v63  }
0x65: {  	_ =	swait.ge [sflag:s14], $0x4000  }
0x66: {  	[sflag:s14] =	ssyncset.done $0x0  }
0x67: {  	s30 =	simm.s32 $0x100;
	[sflag:s14] =	ssyncadd.s32 $0xFFFFC000  }
0x68: {  	[tilespmem:s18], [sflag:$0x1] =	stream.indirect.gather [hbm4b:s1+s17], $0x80, s30, s17, $0xb8;
	[tilespmem:$0x1E800] =	vst v63  }
0x69: {  	_ =	swait.ge [sflag:s21], $0x4000  }
0x6a: {  	[sflag:s21] =	ssyncset.done $0x0  }
0x6b: {  	s31 =	simm.s32 $0x1480;
	[sflag:s21] =	ssyncadd.s32 $0xFFFFC000  }
0x6c: {  	[spmem:s2] =	stream.indirect.scatter.add.f32 [tilespmem:s19], [sflag:$0x3], $0x80, s31, s17, $0xb8;
	[tilespmem:$0x1E800] =	vst v63  }
0x6d: {  	_ =	swait.ge [sflag:s14], $0x4000  }
0x6e: {  	[sflag:s14] =	ssyncset.done $0x0  }
0x6f: {  	s26 =	simm.s32 $0x180;
	s25 =	simm.s32 $0x400;
	[sflag:s14] =	ssyncadd.s32 $0xFFFFC000  }
.LBB2_4:
0x70: {  	[tilespmem:s19], [sflag:$0x2] =	stream.indirect.gather [hbm4b:s1+s17], $0x80, s26, s17, $0xb8;
	[tilespmem:$0x1E800] =	vst v63  }
0x71: {  	s26 =	smov.u32 s25  }
0x72: {  	p0 =	sne.s32 s25, $0x4800;
	s25 =	sadd.s32 $0x400, s25;
	_ =	swait.ge [sflag:s20], $0x4000  }
0x73: {  	s26 =	sshra.s32 s26, $0x2;
	[sflag:s20] =	ssyncset.done $0x0  }
0x74: {  	s28 =	sadd.s32 $0x1400, s26;
	[sflag:s20] =	ssyncadd.s32 $0xFFFFC000  }
0x75: {  	[spmem:s2] =	stream.indirect.scatter.add.f32 [tilespmem:s18], [sflag:$0x3], $0x80, s28, s17, $0xb8;
	[tilespmem:$0x1E800] =	vst v63  }
0x76: {  	_ =	swait.ge [sflag:s14], $0x4000  }
0x77: {  	[sflag:s14] =	ssyncset.done $0x0  }
0x78: {  	s28 =	sadd.s32 $0x100, s26;
	[sflag:s14] =	ssyncadd.s32 $0xFFFFC000  }
0x79: {  	[tilespmem:s18], [sflag:$0x1] =	stream.indirect.gather [hbm4b:s1+s17], $0x80, s28, s17, $0xb8;
	[tilespmem:$0x1E800] =	vst v63  }
0x7a: {  	_ =	swait.ge [sflag:s21], $0x4000  }
0x7b: {  	[sflag:s21] =	ssyncset.done $0x0  }
.Ltmp1:
0x7c: {  	s28 =	sadd.s32 $0x1480, s26;
	[sflag:s21] =	ssyncadd.s32 $0xFFFFC000;
	(pc) =	sbr.rel @p0 .LBB2_4-.Ltmp1, $4  }
0x7d: {  	[spmem:s2] =	stream.indirect.scatter.add.f32 [tilespmem:s19], [sflag:$0x3], $0x80, s28, s17, $0xb8;
	[tilespmem:$0x1E800] =	vst v63  }
0x7e: {  	_ =	swait.ge [sflag:s14], $0x4000  }
0x7f: {  	[sflag:s14] =	ssyncset.done $0x0  }
0x80: {  	s26 =	sadd.s32 $0x180, s26;
	[sflag:s14] =	ssyncadd.s32 $0xFFFFC000  }
0x81: {  	[tilespmem:s19], [sflag:$0x2] =	stream.indirect.gather [hbm4b:s1+s17], $0x80, s26, s17, $0xb8;
	[tilespmem:$0x1E800] =	vst v63  }
0x82: {  	_ =	swait.ge [sflag:s20], $0x4000  }
0x83: {  	[sflag:s20] =	ssyncset.done $0x0  }
0x84: {  	[sflag:s20] =	ssyncadd.s32 $0xFFFFC000  }
0x85: {  	[spmem:s2] =	stream.indirect.scatter.add.f32 [tilespmem:s18], [sflag:$0x3], $0x80, s22, s17, $0xb8;
	[tilespmem:$0x1E800] =	vst v63  }
0x86: {  	_ =	swait.ge [sflag:s14], $0x4000  }
0x87: {  	[sflag:s14] =	ssyncset.done $0x0  }
0x88: {  	[sflag:s14] =	ssyncadd.s32 $0xFFFFC000  }
0x89: {  	_ =	swait.ge [sflag:s21], $0x4000  }
0x8a: {  	[sflag:s21] =	ssyncset.done $0x0  }
0x8b: {  	[sflag:s21] =	ssyncadd.s32 $0xFFFFC000  }
0x8c: {  	[spmem:s2] =	stream.indirect.scatter.add.f32 [tilespmem:s19], [sflag:$0x3], $0x80, s23, s17, $0xb8;
	[tilespmem:$0x1E800] =	vst v63  }
0x8d: {  	_ =	swait.ge [sflag:s14], $0x4000  }
0x8e: {  	s24 =	sadd.s32 $0x1, s24;
	[sflag:s14] =	ssyncset.done $0x0  }
0x8f: {  	p0 =	sne.s32 s24, s8;
	[sflag:s14] =	ssyncadd.s32 $0xFFFFC000  }
.Ltmp2:
0x90: {  	[bflag:$0x0] =	sbarrier.arrive $0xFFFF;
	(pc) =	sbr.rel @p0 .LBB2_1-.Ltmp2, $4  }
0x91: {  	[hbm:s7], [sflag:s6] =	dma.local [spmem:s13], $0x2800  }
0x92: {  	_ =	swait.ge [sflag:s14], $0x2800  }
0x93: {  	[sflag:s14] =	ssyncset.done $0x0  }
0x94: {  	[sflag:s14] =	ssyncadd.s32 $0xFFFFD800  }
0x95: {  	_ =	sfence.sel $0x180000  }
0x96: {  	[bflag:$0x0] =	sbarrier.arrive $0xFFFF  }
0x97: {  	p0 =	sne.s32 s3, $0x0;
	_ =	strace $0x9000004D  }
0x98: {  	s0 =	sadd.s32 @!p0 $0x100000, s0;
	[bflag:$0x2] =	sbarrier.arrive $0xFFFF  }
0x99: {  	[sflag:s0] =	ssyncadd.tile.s32 @!p0 $0x1;
	_ =	shalt  }
.Lfunc_end2:
_tile_overlayer_lowered:
.L_overlay_start_2:
0x9a: {  	(tag) =	ssettag $0x2  }
0x9b: {  	s0 =	rddreg [dreg:$0x0];
	s2 =	stileid.u32  }
0x9c: {  	s1 =	rddreg [dreg:$0x1];
	p0 =	sne.s32 s2, $0x0  }
0x9d: {  	s3 =	rddreg [dreg:$0x2];
	[bflag:$0x3] =	sbarrier.arrive $0xFFFF;
	s2 =	simm.s32 @!p0 $0x1C03  }
0x9e: {  	[timem:s3], [sflag:s2] =	dma.local @!p0 [hbm:s0], s1  }
0x9f: {  	s0 =	simm.s32 @!p0 $0x3  }
0xa0: {  	_ =	swait.ge @!p0 [sflag:s0], s1  }
0xa1: {  	s1 =	ssub.s32 @!p0 $0x0, s1;
	[sflag:s0] =	ssyncset.done @!p0 $0x0  }
0xa2: {  	[sflag:s0] =	ssyncadd.s32 @!p0 s1  }
0xa3: {  	[bflag:$0x3] =	sbarrier.arrive $0xFFFF  }
0xa4: {  	_ =	shalt  }

// kernel: kernel.8.cloned.1.call-start
scs
__scs_entry_jumppad:
0x0: {  	(pc) =	sbr.rel $0x88, $3  }
0x1: {  	(tag) =	ssettag $0x0;
	lr =	simm.s32 $0x1  }
0x2: {  	[smem:$0x3F9C] =	sst lr;
	_ =	strace $0xD0000000  }
0x3: {  	_ = 	snop  }
0x4: {  	_ = 	snop  }
0x5: {  	_ = 	snop  }
0x6: {  	_ = 	snop  }
0x7: {  	_ = 	snop  }
__scs_overlays_trampoline_lowered:
0x8: {  	[smem:$0x3FAB] =	sst s0  }
0x9: {  	[smem:$0x3FAC] =	sst s1  }
0xa: {  	[smem:$0x3FAD] =	sst s2  }
0xb: {  	[smem:$0x3FAE] =	sst s3  }
0xc: {  	[smem:$0x3FAF] =	sst s4  }
0xd: {  	[smem:$0x3FB0] =	sst s5  }
0xe: {  	[smem:$0x3FB1] =	sst s6  }
0xf: {  	[smem:$0x3FB2] =	sst s7  }
0x10: {  	[smem:$0x3FB3] =	sst s8  }
0x11: {  	[smem:$0x3FB4] =	sst s9;
	s0 =	simm.s32 @!p0 $0x0  }
0x12: {  	s1 =	sld [smem:$0x3F9A];
	s0 =	simm.s32 @p0 $0x1  }
0x13: {  	[smem:$0x3FB5] =	sst s0;
	s0 =	simm.s32 @!p1 $0x0  }
0x14: {  	s2 =	sld [smem:$0x3F99];
	s0 =	simm.s32 @p1 $0x1  }
0x15: {  	[smem:$0x3FB6] =	sst s0;
	s0 =	simm.s32 @!p2 $0x0  }
0x16: {  	s3 =	sld [smem:$0x3FDB];
	s0 =	simm.s32 @p2 $0x1  }
0x17: {  	s4 =	simm.s32 $0x1BF5;
	[smem:$0x3FB8] =	sst s0  }
0x18: {  	s0 =	sld [smem:$0x3F9B];
	_ =	swait.ge [sflag:s4], $0x0  }
0x19: {  	s7 =	sld [smem:$0x3F9C]  }
0x1a: {  	s8 =	sadd.s32 $0xFFFFE003, lr  }
0x1b: {  	s9 =	sadd.s32 $0xFFFFFEF7, lr;
	s5 =	simm.s32 $0xFFFFFFFF;
	p2 =	slt.u32 s8, $0xFFFFF086  }
0x1c: {  	p1 =	slt.u32 s9, $0xF7A;
	s5 =	simm.s32 @!p2 $0x0  }
0x1d: {  	s5 =	simm.s32 @p1 $0x1;
	p0 =	seq.s32 s7, s2  }
0x1e: {  	s7 =	smul.u32 @!p0 $0xF7A, s2;
	p2 =	seq.s32 @!p0 s5, $0x0  }
0x1f: {  	s9 =	smul.u32 $0xF7A, s1;
	s8 =	simm.s32 @!p0 $0x1BF5;
	p2 =	por !p2, p0  }
0x20: {  	[sflag:s8] =	ssyncset.s32 @!p0 $0xFFFFF086;
	s6 =	sadd.s32 @!p0 s3, s7;
	s7 =	simm.s32 @!p0 $0x108  }
0x21: {  	s3 =	sadd.s32 s3, s9;
	s6 =	sadd.s32 @!p0 $0x88, s6;
	s7 =	simm.s32 @p2 $0x1082  }
0x22: {  	[simem:s7], [sflag:s8] =	dma.local @!p0 [hbm:s6], $0xF7A  }
0x23: {  	s9 =	sor.u32 $0xD0000000, s2;
	s6 =	simm.s32 $0x108;
	_ =	swait.ge @!p0 [sflag:s8], $0x0  }
0x24: {  	s3 =	sadd.s32 $0x88, s3;
	s6 =	simm.s32 @!p1 $0x1082;
	[sflag:s4] =	ssyncset.s32 $0xFFFFF086  }
0x25: {  	[simem:s6], [sflag:s4] =	dma.local [hbm:s3], $0xF7A  }
0x26: {  	[smem:$0x3F9C] =	sst s1;
	(tag) =	ssettag s2;
	_ =	strace s9  }
0x27: {  	s1 =	sld [smem:$0x3FAC]  }
0x28: {  	s2 =	sld [smem:$0x3FAD]  }
0x29: {  	s4 =	sld [smem:$0x3FAF]  }
0x2a: {  	p0 =	seq.s32 s5, $0x0;
	s5 =	sld [smem:$0x3FB0]  }
0x2b: {  	s6 =	sld [smem:$0x3FB1]  }
0x2c: {  	s7 =	sld [smem:$0x3FB2]  }
0x2d: {  	s3 =	simm.s32 $0x108;
	s8 =	sld [smem:$0x3FB3]  }
0x2e: {  	s3 =	simm.s32 @!p0 $0x1082;
	s9 =	sld [smem:$0x3FB4]  }
0x2f: {  	lr =	sadd.s32 s0, s3;
	s0 =	sld [smem:$0x3FAB]  }
0x30: {  	s3 =	sld [smem:$0x3FAE]  }
0x31: {  	[smem:$0x3FB7] =	sst s10  }
0x32: {  	s10 =	sld [smem:$0x3FB5];
	_ =	sdelay $0x3  }
0x33: {  	p0 =	seq.s32 s10, $0x1;
	s10 =	sld [smem:$0x3FB7];
	_ =	sdelay $0x3  }
0x34: {  	[smem:$0x3FB7] =	sst s10  }
0x35: {  	s10 =	sld [smem:$0x3FB6];
	_ =	sdelay $0x3  }
0x36: {  	p1 =	seq.s32 s10, $0x1;
	s10 =	sld [smem:$0x3FB7];
	_ =	sdelay $0x3  }
0x37: {  	[smem:$0x3FB7] =	sst s10  }
0x38: {  	s10 =	sld [smem:$0x3FB8]  }
0x39: {  	_ = 	snop;
	(pc) =	sbr.ind lr, $3  }
0x3a: {  	_ = 	snop  }
0x3b: {  	_ = 	snop  }
0x3c: {  	p2 =	seq.s32 s10, $0x1;
	s10 =	sld [smem:$0x3FB7]  }
0x3d: {  	_ =	shalt  }
0x3e: {  	_ =	shalt  }
0x3f: {  	_ =	shalt  }
0x40: {  	_ =	shalt  }
0x41: {  	_ =	shalt  }
0x42: {  	_ =	shalt  }
0x43: {  	_ =	shalt  }
0x44: {  	_ =	shalt  }
0x45: {  	_ =	shalt  }
0x46: {  	_ =	shalt  }
0x47: {  	_ =	shalt  }
0x48: {  	_ =	shalt  }
0x49: {  	_ =	shalt  }
0x4a: {  	_ =	shalt  }
0x4b: {  	_ =	shalt  }
0x4c: {  	_ =	shalt  }
0x4d: {  	_ =	shalt  }
0x4e: {  	_ =	shalt  }
0x4f: {  	_ =	shalt  }
0x50: {  	_ =	shalt  }
0x51: {  	_ =	shalt  }
0x52: {  	_ =	shalt  }
0x53: {  	_ =	shalt  }
0x54: {  	_ =	shalt  }
0x55: {  	_ =	shalt  }
0x56: {  	_ =	shalt  }
0x57: {  	_ =	shalt  }
0x58: {  	_ =	shalt  }
0x59: {  	_ =	shalt  }
0x5a: {  	_ =	shalt  }
0x5b: {  	_ =	shalt  }
0x5c: {  	_ =	shalt  }
0x5d: {  	_ =	shalt  }
0x5e: {  	_ =	shalt  }
0x5f: {  	_ =	shalt  }
0x60: {  	_ =	shalt  }
0x61: {  	_ =	shalt  }
0x62: {  	_ =	shalt  }
0x63: {  	_ =	shalt  }
0x64: {  	_ =	shalt  }
0x65: {  	_ =	shalt  }
0x66: {  	_ =	shalt  }
0x67: {  	_ =	shalt  }
0x68: {  	_ =	shalt  }
0x69: {  	_ =	shalt  }
0x6a: {  	_ =	shalt  }
0x6b: {  	_ =	shalt  }
0x6c: {  	_ =	shalt  }
0x6d: {  	_ =	shalt  }
0x6e: {  	_ =	shalt  }
0x6f: {  	_ =	shalt  }
0x70: {  	_ =	shalt  }
0x71: {  	_ =	shalt  }
0x72: {  	_ =	shalt  }
0x73: {  	_ =	shalt  }
0x74: {  	_ =	shalt  }
0x75: {  	_ =	shalt  }
0x76: {  	_ =	shalt  }
0x77: {  	_ =	shalt  }
0x78: {  	_ =	shalt  }
0x79: {  	_ =	shalt  }
0x7a: {  	_ =	shalt  }
0x7b: {  	_ =	shalt  }
0x7c: {  	_ =	shalt  }
0x7d: {  	_ =	shalt  }
0x7e: {  	_ =	shalt  }
0x7f: {  	_ =	shalt  }
0x80: {  	_ =	shalt  }
0x81: {  	_ =	shalt  }
0x82: {  	_ =	shalt  }
0x83: {  	_ =	shalt  }
0x84: {  	_ =	shalt  }
0x85: {  	_ =	shalt  }
0x86: {  	_ =	shalt  }
0x87: {  	_ =	shalt  }
.Lfunc_end0:
.L_simem_size_0:
called_computation_lowered:
.L_overlay_start_0:
0x88: {  	s2 =	sld [smem:$0x3FD9]  }
0x89: {  	s3 =	sld [smem:$0x3FFE];
	_ =	sdelay $0x1  }
0x8a: {  	s1 =	srdreg.scid  }
0x8b: {  	s0 =	sand.u32 $0x1, s1  }
0x8c: {  	s17 =	sshll.u32 s0, $0xA;
	s2 =	sadd.s32 s3, s2  }
0x8d: {  	s2 =	sadd.s32 s2, s17  }
0x8e: {  	[smem:$0x3FC3] =	sst s2  }
0x8f: {  	_ = 	snop  }
0x90: {  	s2 =	sld [smem:$0x3FD0];
	(tm) =	ssettm $0x1  }
0x91: {  	s18 =	sld [smem:$0x3FFB];
	_ =	sdelay $0x3  }
0x92: {  	_ =	strace s18  }
0x93: {  	s3 =	sld [smem:$0x3FFC];
	_ =	sdelay $0x3  }
0x94: {  	_ =	strace s3  }
0x95: {  	s3 =	sld [smem:$0x3FFD];
	_ =	sdelay $0x3  }
0x96: {  	_ =	strace s3  }
0x97: {  	_ =	strace $0x8FFFFFFF  }
0x98: {  	s19 =	sld [smem:$0x3FDB];
	_ =	sdelay $0x1  }
0x99: {  	s4 =	simm.s32 $_scs_section_size  }
0x9a: {  	s5 =	simm.s32 $_size__tile_overlayer_lowered;
	s6 =	simm.s32 $_tile_overlayer_lowered  }
0x9b: {  	s22 =	simm.s32 $0x1BFF;
	s21 =	sshll.u32 s6, $0x1;
	s3 =	sadd.s32 s4, s19  }
0x9c: {  	s7 =	simm.s32 $0x0;
	s20 =	sshll.u32 s5, $0x1;
	s5 =	sadd.s32 s21, s3  }
0x9d: {  	[timem:s7], [sflag:s22] =	dma.local [hbm:s5], s20  }
0x9e: {  	_ =	swait.ge [sflag:s22], s20  }
0x9f: {  	s4 =	ssub.s32 $0x0, s20;
	[sflag:s22] =	ssyncset.done $0x0  }
0xa0: {  	[sflag:s22] =	ssyncadd.s32 s4;
	_ =	sdelay $0x1  }
0xa1: {  	s23 =	simm.s32 $0x1B8B  }
0xa2: {  	_ =	swait.ge [sflag:s23], $0x1  }
0xa3: {  	[sflag:s23] =	ssyncset.done $0x0  }
0xa4: {  	s25 =	simm.s32 $0x1B8E;
	s24 =	sld [smem:$0x3FFE];
	[sflag:s23] =	ssyncadd.s32 $0xFFFFFFFF  }
0xa5: {  	s26 =	simm.s32 $execute0_lowered;
	[smem:$0x3FD2] =	sst s25  }
0xa6: {  	s5 =	sshll.u32 s26, $0x1;
	_ =	strace $0x80000046;
	[dreg:$0x1] =	wrdreg $0xFFFFFFFF  }
0xa7: {  	s28 =	simm.s32 $_size_execute0_lowered;
	s3 =	sadd.s32 s3, s5;
	[dreg:$0x0] =	wrdreg $0x0  }
0xa8: {  	s5 =	sshll.u32 s28, $0x1;
	[dreg:$0x2] =	wrdreg s3  }
0xa9: {  	[dreg:$0x3] =	wrdreg s5  }
0xaa: {  	[dreg:$0x4] =	wrdreg $0xC0  }
0xab: {  	_ =	task [dreg:s7], $0x5FFFF  }
0xac: {  	[dreg:$0x1] =	wrdreg $0xFFFFFFFF  }
0xad: {  	[dreg:$0x0] =	wrdreg $0x60  }
0xae: {  	[dreg:$0x2] =	wrdreg s24  }
0xaf: {  	[dreg:$0x3] =	wrdreg s2  }
0xb0: {  	[dreg:$0x4] =	wrdreg $0x68000  }
0xb1: {  	[dreg:$0x5] =	wrdreg $0x9  }
0xb2: {  	_ =	task.clear_ibuf [dreg:s7], $0x6FFFF;
	_ =	strace $0x90000046  }
0xb3: {  	s29 =	simm.s32 $0x9;
	_ =	strace $0x80000048  }
0xb4: {  	_ =	swait.ge [sflag:s29], $0x1  }
0xb5: {  	[sflag:s29] =	ssyncadd.s32 $0xFFFFFFFF  }
0xb6: {  	_ =	strace $0x90000048  }
0xb7: {  	_ =	sfence  }
0xb8: {  	s30 =	sld [smem:$0x0];
	_ =	sdelay $0x2  }
0xb9: {  	s31 =	sshll.u32 s1, $0xD;
	s1 =	sshrl.u32 s1, $0x2  }
0xba: {  	s3 =	sand.u32 $0x4000, s31;
	s1 =	sadd.s32 s1, s30  }
0xbb: {  	s0 =	sor.u32 s3, s0;
	s1 =	sshll.u32 s1, $0x11  }
0xbc: {  	s0 =	sor.u32 s1, s0  }
0xbd: {  	s0 =	sadd.s32 $0x8F2B, s0  }
0xbe: {  	[sflag:s0] =	ssyncadd.remote.s32 $0x1  }
0xbf: {  	_ =	sfence.sel $0xFFFF  }
0xc0: {  	[dreg:$0x0] =	wrdreg $0xFFFFFFFF;
	(pc) =	sbr.abs _section_cstart, $3  }
0xc1: {  	[dreg:$0x1] =	wrdreg $0xFFFFFFFF  }
0xc2: {  	_ =	task.clear_ibuf [dreg:s7], $0x2FFFF;
	_ =	strace $0x9FFFFFFF  }
0xc3: {  	(tm) =	ssettm $0x7FFFFFFF  }
tec
execute0_lowered:
.L_overlay_start_1:
0x0: {  	(tag) =	ssettag $0x1  }
0x1: {  	s6 =	rddreg [dreg:$0x0]  }
0x2: {  	s1 =	rddreg [dreg:$0x1]  }
0x3: {  	s3 =	rddreg [dreg:$0x2]  }
0x4: {  	s2 =	srdreg.scid;
	s0 =	rddreg [dreg:$0x3]  }
0x5: {  	s4 =	simm.s32 $0x0;
	s13 =	simm.s32 $0x2800;
	s14 =	simm.s32 $0x80  }
0x6: {  	s15 =	simm.s32 $0x100;
	s16 =	simm.s32 $0x180;
	s17 =	simm.s32 $0x1  }
0x7: {  	s18 =	simm.s32 $0x2;
	s19 =	simm.s32 $0x3;
	s7 =	sand.u32 $0x1, s2  }
0x8: {  	s20 =	simm.s32 $0x4;
	s2 =	stileid.u32;
	s8 =	smul.u32 $0x140000, s7  }
0x9: {  	s21 =	simm.s32 $0x0;
	[smem:$0x7FF] =	sst s4;
	s9 =	smul.u32 $0x14000, s2  }
0xa: {  	s5 =	sshll.u32 s7, $0x4;
	_ =	strace $0x80000047;
	s26 =	smul.u32 $0x50000, s2  }
0xb: {  	s28 =	ssub.s32 $0x2, s7;
	s31 =	sshll.u32 s2, $0x6;
	s5 =	sor.u32 s2, s5  }
0xc: {  	s30 =	sshrl.u32 s28, $0x1;
	s5 =	smul.u32 $0x500, s5;
	s8 =	sadd.s32 s9, s8  }
0xd: {  	s29 =	sshrl.u32 s26, $0x2;
	s9 =	ssub.s32 s28, s30;
	s8 =	sshrl.u32 s8, $0x3  }
0xe: {  	s11 =	sadd.s32 s29, s3;
	s9 =	smax.u32 s9, $0x1;
	s10 =	sadd.s32 s5, s6  }
0xf: {  	s5 =	sadd.s32 $0x15E00, s6;
	s8 =	sadd.s32 s8, s6;
	s6 =	sor.u32 $0x1C05, s31  }
0x10: {  	s12 =	sadd.s32 $0xA000, s11;
	s7 =	sadd.s32 $0x1E00, s10;
	s8 =	sadd.s32 $0x17200, s8  }
0x11: {  	s10 =	sshrl.u32 s11, $0x3;
	s11 =	simm.s32 $0x5;
	s12 =	sshrl.u32 s12, $0x3  }
.LBB2_1:
0x12: {  	[spmem:s10], [sflag:s6] =	dma.local [hbm:s5], $0x1400  }
0x13: {  	_ =	swait.ge [sflag:s11], $0x1400  }
0x14: {  	[sflag:s11] =	ssyncset.done $0x0  }
0x15: {  	[sflag:s11] =	ssyncadd.s32 $0xFFFFEC00  }
0x16: {  	[spmem:s12], [sflag:s6] =	dma.local [hbm:s5], $0x1400  }
0x17: {  	_ =	swait.ge [sflag:s11], $0x1400  }
0x18: {  	[sflag:s11] =	ssyncset.done $0x0  }
0x19: {  	[sflag:s11] =	ssyncadd.s32 $0xFFFFEC00  }
0x1a: {  	[tilespmem:s13], [sflag:$0x5] =	stream.linear.gather [hbm4b:s1+s4], $0x4000, $0x38;
	[tilespmem:$0x1A800] =	vst v63  }
0x1b: {  	_ =	swait.ge [sflag:s11], $0x4000  }
0x1c: {  	[sflag:s11] =	ssyncset.done $0x0  }
0x1d: {  	[sflag:s11] =	ssyncadd.s32 $0xFFFFC000  }
0x1e: {  	[tilespmem:s4], [sflag:$0x5] =	stream.linear.gather [hbm4b:s7+s4], $0x2800, $0x38;
	[tilespmem:$0x1A800] =	vst v63  }
0x1f: {  	_ =	swait.ge [sflag:s11], $0x2800  }
0x20: {  	[sflag:s11] =	ssyncset.done $0x0  }
0x21: {  	[sflag:s11] =	ssyncadd.s32 $0xFFFFD800  }
0x22: {  	[bflag:$0x0] =	sbarrier.arrive $0xFFFF  }
0x23: {  	[spmem:s3] =	stream.indirect.scatter.add.f32 [tilespmem:s13], [sflag:$0x1], $0x80, s4, s14, $0xb8;
	[tilespmem:$0x1A800] =	vst v63  }
0x24: {  	_ = 	snop  }
0x25: {  	[spmem:s3] =	stream.indirect.scatter.add.f32 [tilespmem:s13], [sflag:$0x2], $0x80, s14, s14, $0xb8;
	[tilespmem:$0x1A800] =	vst v63  }
0x26: {  	_ = 	snop  }
0x27: {  	[spmem:s3] =	stream.indirect.scatter.add.f32 [tilespmem:s13], [sflag:$0x3], $0x80, s15, s14, $0xb8;
	[tilespmem:$0x1A800] =	vst v63  }
0x28: {  	_ = 	snop  }
0x29: {  	[spmem:s3] =	stream.indirect.scatter.add.f32 [tilespmem:s13], [sflag:$0x4], $0x80, s16, s14, $0xb8;
	[tilespmem:$0x1A800] =	vst v63  }
0x2a: {  	_ =	swait.ge [sflag:s17], $0x4000  }
0x2b: {  	[sflag:s17] =	ssyncset.done $0x0  }
0x2c: {  	s22 =	simm.s32 $0x200;
	[sflag:s17] =	ssyncadd.s32 $0xFFFFC000  }
0x2d: {  	[spmem:s3] =	stream.indirect.scatter.add.f32 [tilespmem:s13], [sflag:$0x1], $0x80, s22, s14, $0xb8;
	[tilespmem:$0x1A800] =	vst v63  }
0x2e: {  	_ =	swait.ge [sflag:s18], $0x4000  }
0x2f: {  	[sflag:s18] =	ssyncset.done $0x0  }
0x30: {  	s30 =	simm.s32 $0x280;
	[sflag:s18] =	ssyncadd.s32 $0xFFFFC000  }
0x31: {  	[spmem:s3] =	stream.indirect.scatter.add.f32 [tilespmem:s13], [sflag:$0x2], $0x80, s30, s14, $0xb8;
	[tilespmem:$0x1A800] =	vst v63  }
0x32: {  	_ =	swait.ge [sflag:s19], $0x4000  }
0x33: {  	[sflag:s19] =	ssyncset.done $0x0  }
0x34: {  	s31 =	simm.s32 $0x300;
	[sflag:s19] =	ssyncadd.s32 $0xFFFFC000  }
0x35: {  	[spmem:s3] =	stream.indirect.scatter.add.f32 [tilespmem:s13], [sflag:$0x3], $0x80, s31, s14, $0xb8;
	[tilespmem:$0x1A800] =	vst v63  }
0x36: {  	_ =	swait.ge [sflag:s20], $0x4000  }
0x37: {  	[sflag:s20] =	ssyncset.done $0x0  }
0x38: {  	s23 =	simm.s32 $0x380;
	s22 =	simm.s32 $0xFFFF7000;
	[sflag:s20] =	ssyncadd.s32 $0xFFFFC000  }
.LBB2_2:
0x39: {  	[spmem:s3] =	stream.indirect.scatter.add.f32 [tilespmem:s13], [sflag:$0x4], $0x80, s23, s14, $0xb8;
	[tilespmem:$0x1A800] =	vst v63  }
0x3a: {  	s23 =	smov.u32 s22  }
0x3b: {  	p0 =	sne.s32 s22, $0xFFFFF800;
	s22 =	sadd.s32 $0x800, s22;
	_ =	swait.ge [sflag:s17], $0x4000  }
0x3c: {  	s23 =	sshra.s32 s23, $0x2;
	[sflag:s17] =	ssyncset.done $0x0  }
0x3d: {  	s24 =	sadd.s32 $0x2800, s23;
	[sflag:s17] =	ssyncadd.s32 $0xFFFFC000  }
0x3e: {  	[spmem:s3] =	stream.indirect.scatter.add.f32 [tilespmem:s13], [sflag:$0x1], $0x80, s24, s14, $0xb8;
	[tilespmem:$0x1A800] =	vst v63  }
0x3f: {  	_ =	swait.ge [sflag:s18], $0x4000  }
0x40: {  	[sflag:s18] =	ssyncset.done $0x0  }
0x41: {  	s24 =	sadd.s32 $0x2880, s23;
	[sflag:s18] =	ssyncadd.s32 $0xFFFFC000  }
0x42: {  	[spmem:s3] =	stream.indirect.scatter.add.f32 [tilespmem:s13], [sflag:$0x2], $0x80, s24, s14, $0xb8;
	[tilespmem:$0x1A800] =	vst v63  }
0x43: {  	_ =	swait.ge [sflag:s19], $0x4000  }
0x44: {  	[sflag:s19] =	ssyncset.done $0x0  }
.Ltmp0:
0x45: {  	s24 =	sadd.s32 $0x2900, s23;
	[sflag:s19] =	ssyncadd.s32 $0xFFFFC000;
	(pc) =	sbr.rel @p0 .LBB2_2-.Ltmp0, $4  }
0x46: {  	[spmem:s3] =	stream.indirect.scatter.add.f32 [tilespmem:s13], [sflag:$0x3], $0x80, s24, s14, $0xb8;
	[tilespmem:$0x1A800] =	vst v63  }
0x47: {  	_ =	swait.ge [sflag:s20], $0x4000  }
0x48: {  	[sflag:s20] =	ssyncset.done $0x0  }
0x49: {  	s23 =	sadd.s32 $0x2980, s23;
	[sflag:s20] =	ssyncadd.s32 $0xFFFFC000  }
0x4a: {  	[spmem:s3] =	stream.indirect.scatter.add.f32 [tilespmem:s13], [sflag:$0x4], $0x80, s23, s14, $0xb8;
	[tilespmem:$0x1A800] =	vst v63  }
0x4b: {  	_ =	swait.ge [sflag:s17], $0x4000  }
0x4c: {  	[sflag:s17] =	ssyncset.done $0x0  }
0x4d: {  	[sflag:s17] =	ssyncadd.s32 $0xFFFFC000  }
0x4e: {  	_ =	swait.ge [sflag:s18], $0x4000  }
0x4f: {  	[sflag:s18] =	ssyncset.done $0x0  }
0x50: {  	[sflag:s18] =	ssyncadd.s32 $0xFFFFC000  }
0x51: {  	_ =	swait.ge [sflag:s19], $0x4000  }
0x52: {  	[sflag:s19] =	ssyncset.done $0x0  }
0x53: {  	[sflag:s19] =	ssyncadd.s32 $0xFFFFC000  }
0x54: {  	_ =	swait.ge [sflag:s20], $0x4000  }
0x55: {  	s21 =	sadd.s32 $0x1, s21;
	[sflag:s20] =	ssyncset.done $0x0  }
0x56: {  	p0 =	sne.s32 s21, s9;
	[sflag:s20] =	ssyncadd.s32 $0xFFFFC000  }
.Ltmp1:
0x57: {  	[bflag:$0x0] =	sbarrier.arrive $0xFFFF;
	(pc) =	sbr.rel @p0 .LBB2_1-.Ltmp1, $4  }
0x58: {  	[hbm:s8], [sflag:s6] =	dma.local [spmem:s10], $0x2800  }
0x59: {  	_ =	swait.ge [sflag:s11], $0x2800  }
0x5a: {  	[sflag:s11] =	ssyncset.done $0x0  }
0x5b: {  	[sflag:s11] =	ssyncadd.s32 $0xFFFFD800  }
0x5c: {  	_ =	sfence.sel $0x180000  }
0x5d: {  	[bflag:$0x0] =	sbarrier.arrive $0xFFFF  }
0x5e: {  	p0 =	sne.s32 s2, $0x0;
	_ =	strace $0x90000047  }
0x5f: {  	s0 =	sadd.s32 @!p0 $0x100000, s0;
	[bflag:$0x2] =	sbarrier.arrive $0xFFFF  }
0x60: {  	[sflag:s0] =	ssyncadd.tile.s32 @!p0 $0x1;
	_ =	shalt  }
.Lfunc_end2:
_tile_overlayer_lowered:
.L_overlay_start_2:
0x61: {  	(tag) =	ssettag $0x2  }
0x62: {  	s0 =	rddreg [dreg:$0x0];
	s2 =	stileid.u32  }
0x63: {  	s1 =	rddreg [dreg:$0x1];
	p0 =	sne.s32 s2, $0x0  }
0x64: {  	s3 =	rddreg [dreg:$0x2];
	[bflag:$0x3] =	sbarrier.arrive $0xFFFF;
	s2 =	simm.s32 @!p0 $0x1C05  }
0x65: {  	[timem:s3], [sflag:s2] =	dma.local @!p0 [hbm:s0], s1  }
0x66: {  	s0 =	simm.s32 @!p0 $0x5  }
0x67: {  	_ =	swait.ge @!p0 [sflag:s0], s1  }
0x68: {  	s1 =	ssub.s32 @!p0 $0x0, s1;
	[sflag:s0] =	ssyncset.done @!p0 $0x0  }
0x69: {  	[sflag:s0] =	ssyncadd.s32 @!p0 s1  }
0x6a: {  	[bflag:$0x3] =	sbarrier.arrive $0xFFFF  }
0x6b: {  	_ =	shalt  }

</sc_bundles>
